<compile_context>
chip_gen: v7x
topology: tpu7x:2x2x1
jax: 0.10.2.dev20260603
libtpu: 0.0.44.dev20260713+nightly
codegen_flags: <defaults>
</compile_context>

<pallas_src>
import functools

import jax
import jax.numpy as jnp
from jax import lax
from jax.experimental import pallas as pl
from jax.experimental.pallas import tpu as pltpu
from jax.experimental.pallas import tpu_sc as plsc

N = 50000
NP = 50176
E = 800000
A = 128
H = 64
HH = H // 2
T = 4
B = 2

_NC = 2
_NS = 16
_CH = 125
_ROWS_PER_TILE = (E // _CH) // _NS
_G = 16

_BN = 3584


def _k1_body(x_ref, wr_ref, br_ref, h_ref):
    h = jnp.dot(x_ref[...], wr_ref[...], preferred_element_type=jnp.float32) + br_ref[...]
    h_ref[0] = h[:, :HH]
    h_ref[1] = h[:, HH:]


def _project_split(x, W_reduce, b_reduce):
    return pl.pallas_call(
        _k1_body,
        grid=(NP // _BN,),
        in_specs=[
            pl.BlockSpec((_BN, A), lambda i: (i, 0)),
            pl.BlockSpec((A, H), lambda i: (0, 0)),
            pl.BlockSpec((1, H), lambda i: (0, 0)),
        ],
        out_specs=pl.BlockSpec((2, _BN, HH), lambda i: (0, i, 0)),
        out_shape=jax.ShapeDtypeStruct((2, NP, HH), jnp.float32),
    )(x, W_reduce, b_reduce.reshape(1, H))


def _gru_body(aggh_ref, h_ref, wga_ref, wgb_ref, wihrz_ref, whhrza_ref,
              whhrzb_ref, wihn_ref, whhna_ref, whhnb_ref, brz_ref, bin_ref,
              bhn_ref, out_ref):
    dot = functools.partial(jnp.dot, preferred_element_type=jnp.float32)
    h0 = h_ref[0]
    h1 = h_ref[1]
    agg = dot(aggh_ref[0], wga_ref[...]) + dot(aggh_ref[1], wgb_ref[...])
    grz = (dot(agg, wihrz_ref[...]) + dot(h0, whhrza_ref[...])
           + dot(h1, whhrzb_ref[...]) + brz_ref[...])
    r = jax.nn.sigmoid(grz[:, 0:H])
    z = jax.nn.sigmoid(grz[:, 128:128 + H])
    hn = dot(h0, whhna_ref[...]) + dot(h1, whhnb_ref[...]) + bhn_ref[...]
    n = jnp.tanh(dot(agg, wihn_ref[...]) + bin_ref[...] + r * hn)
    out_ref[0] = (1.0 - z[:, :HH]) * n[:, :HH] + z[:, :HH] * h0
    out_ref[1] = (1.0 - z[:, HH:]) * n[:, HH:] + z[:, HH:] * h1


def _gru_step(aggh, h, wp):
    return pl.pallas_call(
        _gru_body,
        grid=(NP // _BN,),
        in_specs=[
            pl.BlockSpec((2, _BN, HH), lambda i: (0, i, 0)),
            pl.BlockSpec((2, _BN, HH), lambda i: (0, i, 0)),
            pl.BlockSpec((HH, H), lambda i: (0, 0)),
            pl.BlockSpec((HH, H), lambda i: (0, 0)),
            pl.BlockSpec((H, 256), lambda i: (0, 0)),
            pl.BlockSpec((HH, 256), lambda i: (0, 0)),
            pl.BlockSpec((HH, 256), lambda i: (0, 0)),
            pl.BlockSpec((H, H), lambda i: (0, 0)),
            pl.BlockSpec((HH, H), lambda i: (0, 0)),
            pl.BlockSpec((HH, H), lambda i: (0, 0)),
            pl.BlockSpec((1, 256), lambda i: (0, 0)),
            pl.BlockSpec((1, H), lambda i: (0, 0)),
            pl.BlockSpec((1, H), lambda i: (0, 0)),
        ],
        out_specs=pl.BlockSpec((2, _BN, HH), lambda i: (0, i, 0)),
        out_shape=jax.ShapeDtypeStruct((2, NP, HH), jnp.float32),
    )(aggh, h, *wp)


def _prep_gru_weights(Wg, W_ihT, W_hhT, b_ih, b_hh):
    zpad = jnp.zeros((H, H), jnp.float32)
    wih_rz = jnp.concatenate(
        [W_ihT[:, 0:H], zpad, W_ihT[:, H:2 * H], zpad], axis=1)
    whh_rz = jnp.concatenate(
        [W_hhT[:, 0:H], zpad, W_hhT[:, H:2 * H], zpad], axis=1)
    zb = jnp.zeros((H,), jnp.float32)
    brz = jnp.concatenate([b_ih[0:H] + b_hh[0:H], zb,
                           b_ih[H:2 * H] + b_hh[H:2 * H], zb]).reshape(1, 256)
    return (Wg[:HH, :], Wg[HH:, :], wih_rz, whh_rz[:HH, :], whh_rz[HH:, :],
            W_ihT[:, 2 * H:], W_hhT[:HH, 2 * H:], W_hhT[HH:, 2 * H:],
            brz, b_ih[2 * H:].reshape(1, H), b_hh[2 * H:].reshape(1, H))


def _final_body(sel_ref, wl_ref, bl_ref, out_ref):
    sel = jnp.concatenate([sel_ref[0], sel_ref[1]], axis=1)
    out_ref[...] = jax.nn.sigmoid(
        jnp.dot(sel, wl_ref[...], preferred_element_type=jnp.float32) + bl_ref[...])


def _final(sel, W_lin, b_lin2):
    S = sel.shape[1]
    return pl.pallas_call(
        _final_body,
        in_specs=[
            pl.BlockSpec((2, S, HH), lambda: (0, 0, 0)),
            pl.BlockSpec((H, B), lambda: (0, 0)),
            pl.BlockSpec((1, B), lambda: (0, 0)),
        ],
        out_specs=pl.BlockSpec((S, B), lambda: (0, 0)),
        out_shape=jax.ShapeDtypeStruct((S, B), jnp.float32),
    )(sel, W_lin, b_lin2)


def _sc_scatter_body(h_hbm, src_hbm, dst_hbm, zeros_hbm, out_hbm,
                     srcv, dstv, rows, aggsh, semg, sems, semi, semz):
    c = lax.axis_index("c")
    s = lax.axis_index("s")
    zr = NP // _NS
    r0 = s * zr
    row0 = s * _ROWS_PER_TILE
    ngrp = _ROWS_PER_TILE // _G
    pltpu.async_copy(zeros_hbm.at[pl.ds(r0, zr)], aggsh.at[pl.ds(r0, zr)], semz)
    for cc in range(_NC):
        @pl.when(c == cc)
        def _():
            h_half = h_hbm.at[cc]
            pltpu.sync_copy(src_hbm.at[pl.ds(row0, _G)], srcv.at[0])
            pltpu.sync_copy(dst_hbm.at[pl.ds(row0, _G)], dstv.at[0])
            pltpu.async_copy(h_half.at[srcv.at[0].at[0]], rows.at[0], semg)
            pltpu.async_copy(h_half.at[srcv.at[0].at[1]], rows.at[1], semg)
            pltpu.async_copy(h_half.at[srcv.at[0].at[2]], rows.at[2], semg)
            pltpu.make_async_copy(zeros_hbm.at[pl.ds(r0, zr)],
                                  aggsh.at[pl.ds(r0, zr)], semz).wait()
            plsc.subcore_barrier()

            def chunk(g, _):
                k = g // _G
                j = g % _G
                p = k % 2

                @pl.when(jnp.logical_and(j == 0, k + 1 < ngrp))
                def _():
                    gb = row0 + (k + 1) * _G
                    pltpu.async_copy(src_hbm.at[pl.ds(gb, _G)],
                                     srcv.at[1 - p], semi)
                    pltpu.async_copy(dst_hbm.at[pl.ds(gb, _G)],
                                     dstv.at[1 - p], semi)

                @pl.when(jnp.logical_and(j == 8, k + 1 < ngrp))
                def _():
                    gb = row0 + (k + 1) * _G
                    pltpu.make_async_copy(src_hbm.at[pl.ds(gb, _G)],
                                          srcv.at[1 - p], semi).wait()
                    pltpu.make_async_copy(dst_hbm.at[pl.ds(gb, _G)],
                                          dstv.at[1 - p], semi).wait()

                b = g % 5
                pltpu.make_async_copy(h_half.at[srcv.at[p].at[j]],
                                      rows.at[b], semg).wait()
                pltpu.async_copy(rows.at[b], aggsh.at[dstv.at[p].at[j]],
                                 sems, add=True)

                @pl.when(g >= 2)
                def _():
                    pltpu.make_async_copy(rows.at[b], aggsh.at[dstv.at[p].at[j]],
                                          sems).wait()

                @pl.when(g + 3 < _ROWS_PER_TILE)
                def _():
                    g2 = g + 3
                    pltpu.async_copy(
                        h_half.at[srcv.at[(g2 // _G) % 2].at[g2 % _G]],
                        rows.at[g2 % 5], semg)
                return 0

            lax.fori_loop(0, _ROWS_PER_TILE, chunk, 0, unroll=False)
            for b in range(2):
                pltpu.make_async_copy(rows.at[b], aggsh.at[dstv.at[0].at[b]],
                                      sems).wait()
    plsc.subcore_barrier()
    for cc in range(_NC):
        @pl.when(c == cc)
        def _():
            pltpu.sync_copy(aggsh.at[pl.ds(r0, zr)],
                            out_hbm.at[cc].at[pl.ds(r0, zr)])


@functools.partial(jax.jit, static_argnames=())
def _sc_scatter(h_split, src2d, dst2d, zeros):
    mesh = plsc.VectorSubcoreMesh(core_axis_name="c", subcore_axis_name="s")
    f = pl.kernel(
        _sc_scatter_body,
        mesh=mesh,
        compiler_params=pltpu.CompilerParams(use_tc_tiling_on_sc=False),
        out_type=jax.ShapeDtypeStruct((2, NP, HH), jnp.float32),
        scratch_types=[
            pltpu.VMEM((2, _G, _CH), jnp.int32),
            pltpu.VMEM((2, _G, _CH), jnp.int32),
            pltpu.VMEM((5, _CH, HH), jnp.float32),
            pltpu.VMEM_SHARED((NP, HH), jnp.float32),
            pltpu.SemaphoreType.DMA,
            pltpu.SemaphoreType.DMA,
            pltpu.SemaphoreType.DMA,
            pltpu.SemaphoreType.DMA,
        ],
    )
    return f(h_split, src2d, dst2d, zeros)


def _sc_gather_body(h_hbm, idx_hbm, out_hbm, idxv, rows, sem):
    c = lax.axis_index("c")
    s = lax.axis_index("s")
    for cc in range(_NC):
        @pl.when(c == cc)
        def _():
            h_half = h_hbm.at[cc]
            pltpu.sync_copy(idx_hbm.at[s], idxv)
            for j in range(2):
                pltpu.async_copy(h_half.at[idxv.at[j]], rows, sem).wait()
                pltpu.sync_copy(rows,
                                out_hbm.at[cc].at[pl.ds((2 * s + j) * 128, 128)])


def _sc_gather(h_split, idx2d):
    mesh = plsc.VectorSubcoreMesh(core_axis_name="c", subcore_axis_name="s")
    f = pl.kernel(
        _sc_gather_body,
        mesh=mesh,
        compiler_params=pltpu.CompilerParams(use_tc_tiling_on_sc=False),
        out_type=jax.ShapeDtypeStruct((2, 4096, HH), jnp.float32),
        scratch_types=[
            pltpu.VMEM((2, 128), jnp.int32),
            pltpu.VMEM((128, HH), jnp.float32),
            pltpu.SemaphoreType.DMA,
        ],
    )
    return f(h_split, idx2d)


def kernel(x, edge_index, batch, source_nodes, W_reduce, b_reduce, W_ggc,
           W_ih, W_hh, b_ih, b_hh, W_lin, b_lin):
    src2d = edge_index[0].reshape(E // _CH, _CH)
    dst2d = edge_index[1].reshape(E // _CH, _CH)
    zeros = jnp.zeros((NP, HH), jnp.float32)
    x = jnp.pad(x, ((0, NP - N), (0, 0)))
    W_ihT = W_ih.T
    W_hhT = W_hh.T

    h = _project_split(x, W_reduce, b_reduce)
    for i in range(T):
        aggh = _sc_scatter(h, src2d, dst2d, zeros)
        h = _gru_step(aggh, h,
                      _prep_gru_weights(W_ggc[i], W_ihT, W_hhT, b_ih, b_hh))

    idx3d = source_nodes.reshape(16, 2, 128)
    sel = _sc_gather(h, idx3d)
    return _final(sel, W_lin, b_lin.reshape(1, B))

# --- scband reference (transcript-rebuilt; emitter-appended) ---
"""Pipeline reference for scband-net-26225070310108 (READ-ONLY COPY).

The authoritative reference and input builder live on the scoring server;
editing this copy changes nothing except your own understanding.
"""

import jax, jax.numpy as jnp
import numpy as np

N, E, A, H, T, B = 50000, 800000, 128, 64, 4, 2

def setup_inputs(seed: int = 0):
    key = jax.random.key(seed)
    ks = jax.random.split(key, 13)
    x = jax.random.normal(ks[0], (N, A), dtype=jnp.float32)
    edge_index = jax.random.randint(ks[1], (2, E), 0, N, dtype=jnp.int32)
    batch = jnp.sort(jax.random.randint(ks[2], (N,), 0, 64, dtype=jnp.int32))
    source_nodes = jax.random.randint(ks[3], (1024, 4), 0, N, dtype=jnp.int32)
    W_reduce = jax.random.normal(ks[4], (A, H), dtype=jnp.float32) * 0.05
    b_reduce = jnp.zeros((H,), dtype=jnp.float32)
    W_ggc = jax.random.normal(ks[5], (T, H, H), dtype=jnp.float32) * 0.05
    W_ih = jax.random.normal(ks[6], (3 * H, H), dtype=jnp.float32) * 0.05
    W_hh = jax.random.normal(ks[7], (3 * H, H), dtype=jnp.float32) * 0.05
    b_ih = jnp.zeros((3 * H,), dtype=jnp.float32)
    b_hh = jnp.zeros((3 * H,), dtype=jnp.float32)
    W_lin = jax.random.normal(ks[8], (H, B), dtype=jnp.float32) * 0.05
    b_lin = jnp.zeros((B,), dtype=jnp.float32)
    return {"x": x, "edge_index": edge_index, "batch": batch, "source_nodes": source_nodes,
            "W_reduce": W_reduce, "b_reduce": b_reduce, "W_ggc": W_ggc,
            "W_ih": W_ih, "W_hh": W_hh, "b_ih": b_ih, "b_hh": b_hh,
            "W_lin": W_lin, "b_lin": b_lin}

def reference(x, edge_index, batch, source_nodes, W_reduce, b_reduce, W_ggc, W_ih, W_hh, b_ih, b_hh, W_lin, b_lin):
    # reduce: Linear(annotation_size -> hidden)
    h = x @ W_reduce + b_reduce
    src = edge_index[0]
    dst = edge_index[1]
    n_nodes = h.shape[0]
    # GatedGraphConv: T steps of (linear per-step, scatter-add message passing, GRUCell update)
    for i in range(W_ggc.shape[0]):
        m = h @ W_ggc[i]
        agg = jnp.zeros((n_nodes, m.shape[1]), dtype=m.dtype).at[dst].add(m[src])
        gi = agg @ W_ih.T + b_ih
        gh = h @ W_hh.T + b_hh
        ir, iz, inn = jnp.split(gi, 3, axis=1)
        hr, hz, hn = jnp.split(gh, 3, axis=1)
        r = jax.nn.sigmoid(ir + hr)
        z = jax.nn.sigmoid(iz + hz)
        n = jnp.tanh(inn + r * hn)
        h = (1.0 - z) * n + z * h
    # flatten source_nodes (list-of-lists in torch) and index_select
    idx = source_nodes.reshape(-1)
    sel = jnp.take(h, idx, axis=0)
    out = sel @ W_lin + b_lin
    return jax.nn.sigmoid(out)

if __name__ == "__main__":
    import jax
    _d = setup_inputs()
    print(jax.jit(kernel)(*tuple(_d.values())))

</pallas_src>

<mosaic_0001>
#map = affine_map<(d0, d1) -> (0, 0, 0)>
#map1 = affine_map<(d0, d1) -> (0, 0)>
module attributes {stable_mosaic.version = 14 : i64} {
  func.func @_sc_scatter_body(%arg0: i32, %arg1: i32, %arg2: memref<2x50176x32xf32, #tpu.memory_space<hbm>>, %arg3: memref<6400x125xi32, #tpu.memory_space<hbm>>, %arg4: memref<6400x125xi32, #tpu.memory_space<hbm>>, %arg5: memref<50176x32xf32, #tpu.memory_space<hbm>>, %arg6: memref<2x50176x32xf32, #tpu.memory_space<hbm>>, %arg7: memref<2x16x125xi32, #tpu.memory_space<vmem>>, %arg8: memref<2x16x125xi32, #tpu.memory_space<vmem>>, %arg9: memref<5x125x32xf32, #tpu.memory_space<vmem>>, %arg10: memref<50176x32xf32, #tpu.memory_space<vmem_shared>>, %arg11: memref<!tpu.dma_semaphore, #tpu.memory_space<semaphore_mem>>, %arg12: memref<!tpu.dma_semaphore, #tpu.memory_space<semaphore_mem>>, %arg13: memref<!tpu.dma_semaphore, #tpu.memory_space<semaphore_mem>>, %arg14: memref<!tpu.dma_semaphore, #tpu.memory_space<semaphore_mem>>) attributes {dimension_semantics = [#tpu.dimension_semantics<core_parallel>, #tpu.dimension_semantics<subcore_parallel>], iteration_bounds = array<i64: 2, 16>, scalar_prefetch = 0 : i64, scratch_operands = 8 : i64, tpu.core_type = #tpu.core_type<sc_vector_subcore>, window_params = [{transform_indices = #map}, {transform_indices = #map1}, {transform_indices = #map1}, {transform_indices = #map1}, {transform_indices = #map}]} {
    %mul3A = arith.constant 3136 : i32
    %mul3A_0 = arith.muli %arg1, %mul3A : i32
    %mul3A_1 = arith.constant 400 : i32
    %mul3A_2 = arith.muli %arg1, %mul3A_1 : i32
    %dma_start3A = arith.constant 0 : i32
    %dma_start3A_3 = tpu.memref_slice %arg10[%mul3A_0, %dma_start3A] : memref<50176x32xf32, #tpu.memory_space<vmem_shared>> -> memref<3136x32xf32, #tpu.memory_space<vmem_shared>>
    %dma_start3A_4 = arith.constant 0 : i32
    %dma_start3A_5 = tpu.memref_slice %arg5[%mul3A_0, %dma_start3A_4] : memref<50176x32xf32, #tpu.memory_space<hbm>> -> memref<3136x32xf32, #tpu.memory_space<hbm>>
    tpu.enqueue_dma source(%dma_start3A_5 : memref<3136x32xf32, #tpu.memory_space<hbm>>) target(%dma_start3A_3 : memref<3136x32xf32, #tpu.memory_space<vmem_shared>>) target_semaphore(%arg14 : memref<!tpu.dma_semaphore, #tpu.memory_space<semaphore_mem>>)
    %eq3A = arith.constant 0 : i32
    %eq3A_6 = arith.cmpi eq, %arg0, %eq3A : i32
    %convert_element_type3A = arith.extui %eq3A_6 : i1 to i32
    %cond3A = arith.constant 0 : i32
    %cond3A_7 = arith.cmpi ne, %convert_element_type3A, %cond3A : i32
    scf.if %cond3A_7 {
      %run_scoped3A = arith.constant 0 : i32
      "tpu.region"() ({
        %run_scoped3A_135 = tpu.sem_alloc : memref<!tpu.dma_semaphore, #tpu.memory_space<semaphore_mem>>
        %dma_start3A_136 = arith.constant 0 : i32
        %dma_start3A_137 = arith.constant 0 : i32
        %dma_start3A_138 = tpu.memref_slice %arg7[%run_scoped3A, %dma_start3A_136, %dma_start3A_137] : memref<2x16x125xi32, #tpu.memory_space<vmem>> -> memref<1x16x125xi32, #tpu.memory_space<vmem>>
        %dma_start3A_139 = tpu.memref_squeeze %dma_start3A_138 : memref<1x16x125xi32, #tpu.memory_space<vmem>> -> memref<16x125xi32, #tpu.memory_space<vmem>>
        %dma_start3A_140 = arith.constant 0 : i32
        %dma_start3A_141 = tpu.memref_slice %arg3[%mul3A_2, %dma_start3A_140] : memref<6400x125xi32, #tpu.memory_space<hbm>> -> memref<16x125xi32, #tpu.memory_space<hbm>>
        %dma_start3A_142 = arith.constant 0 : i32
        %dma_start3A_143 = arith.constant 0 : i32
        %dma_start3A_144 = tpu.memref_slice %arg7[%run_scoped3A, %dma_start3A_142, %dma_start3A_143] : memref<2x16x125xi32, #tpu.memory_space<vmem>> -> memref<1x16x125xi32, #tpu.memory_space<vmem>>
        %dma_start3A_145 = tpu.memref_squeeze %dma_start3A_144 : memref<1x16x125xi32, #tpu.memory_space<vmem>> -> memref<16x125xi32, #tpu.memory_space<vmem>>
        %dma_start3A_146 = arith.constant 0 : i32
        %dma_start3A_147 = tpu.memref_slice %arg3[%mul3A_2, %dma_start3A_146] : memref<6400x125xi32, #tpu.memory_space<hbm>> -> memref<16x125xi32, #tpu.memory_space<hbm>>
        tpu.enqueue_dma source(%dma_start3A_147 : memref<16x125xi32, #tpu.memory_space<hbm>>) target(%dma_start3A_145 : memref<16x125xi32, #tpu.memory_space<vmem>>) target_semaphore(%run_scoped3A_135 : memref<!tpu.dma_semaphore, #tpu.memory_space<semaphore_mem>>)
        %dma_wait3A_148 = arith.constant 0 : i32
        %dma_wait3A_149 = arith.constant 0 : i32
        %dma_wait3A_150 = tpu.memref_slice %arg7[%run_scoped3A, %dma_wait3A_148, %dma_wait3A_149] : memref<2x16x125xi32, #tpu.memory_space<vmem>> -> memref<1x16x125xi32, #tpu.memory_space<vmem>>
        %dma_wait3A_151 = tpu.memref_squeeze %dma_wait3A_150 : memref<1x16x125xi32, #tpu.memory_space<vmem>> -> memref<16x125xi32, #tpu.memory_space<vmem>>
        %dma_wait3A_152 = arith.constant 0 : i32
        %dma_wait3A_153 = tpu.memref_slice %arg3[%mul3A_2, %dma_wait3A_152] : memref<6400x125xi32, #tpu.memory_space<hbm>> -> memref<16x125xi32, #tpu.memory_space<hbm>>
        %dma_wait3A_154 = arith.constant 0 : i32
        %dma_wait3A_155 = arith.constant 0 : i32
        %dma_wait3A_156 = tpu.memref_slice %arg7[%run_scoped3A, %dma_wait3A_154, %dma_wait3A_155] : memref<2x16x125xi32, #tpu.memory_space<vmem>> -> memref<1x16x125xi32, #tpu.memory_space<vmem>>
        %dma_wait3A_157 = tpu.memref_squeeze %dma_wait3A_156 : memref<1x16x125xi32, #tpu.memory_space<vmem>> -> memref<16x125xi32, #tpu.memory_space<vmem>>
        %dma_wait3A_158 = arith.constant 0 : i32
        %dma_wait3A_159 = tpu.memref_slice %arg3[%mul3A_2, %dma_wait3A_158] : memref<6400x125xi32, #tpu.memory_space<hbm>> -> memref<16x125xi32, #tpu.memory_space<hbm>>
        tpu.wait_dma2 semaphore(%run_scoped3A_135 : memref<!tpu.dma_semaphore, #tpu.memory_space<semaphore_mem>>) src(%dma_wait3A_159 : memref<16x125xi32, #tpu.memory_space<hbm>>) dst(%dma_wait3A_157 : memref<16x125xi32, #tpu.memory_space<vmem>>)
        tpu.yield
      }) : () -> ()
      %run_scoped3A_23 = arith.constant 0 : i32
      "tpu.region"() ({
        %run_scoped3A_135 = tpu.sem_alloc : memref<!tpu.dma_semaphore, #tpu.memory_space<semaphore_mem>>
        %dma_start3A_136 = arith.constant 0 : i32
        %dma_start3A_137 = arith.constant 0 : i32
        %dma_start3A_138 = tpu.memref_slice %arg8[%run_scoped3A_23, %dma_start3A_136, %dma_start3A_137] : memref<2x16x125xi32, #tpu.memory_space<vmem>> -> memref<1x16x125xi32, #tpu.memory_space<vmem>>
        %dma_start3A_139 = tpu.memref_squeeze %dma_start3A_138 : memref<1x16x125xi32, #tpu.memory_space<vmem>> -> memref<16x125xi32, #tpu.memory_space<vmem>>
        %dma_start3A_140 = arith.constant 0 : i32
        %dma_start3A_141 = tpu.memref_slice %arg4[%mul3A_2, %dma_start3A_140] : memref<6400x125xi32, #tpu.memory_space<hbm>> -> memref<16x125xi32, #tpu.memory_space<hbm>>
        %dma_start3A_142 = arith.constant 0 : i32
        %dma_start3A_143 = arith.constant 0 : i32
        %dma_start3A_144 = tpu.memref_slice %arg8[%run_scoped3A_23, %dma_start3A_142, %dma_start3A_143] : memref<2x16x125xi32, #tpu.memory_space<vmem>> -> memref<1x16x125xi32, #tpu.memory_space<vmem>>
        %dma_start3A_145 = tpu.memref_squeeze %dma_start3A_144 : memref<1x16x125xi32, #tpu.memory_space<vmem>> -> memref<16x125xi32, #tpu.memory_space<vmem>>
        %dma_start3A_146 = arith.constant 0 : i32
        %dma_start3A_147 = tpu.memref_slice %arg4[%mul3A_2, %dma_start3A_146] : memref<6400x125xi32, #tpu.memory_space<hbm>> -> memref<16x125xi32, #tpu.memory_space<hbm>>
        tpu.enqueue_dma source(%dma_start3A_147 : memref<16x125xi32, #tpu.memory_space<hbm>>) target(%dma_start3A_145 : memref<16x125xi32, #tpu.memory_space<vmem>>) target_semaphore(%run_scoped3A_135 : memref<!tpu.dma_semaphore, #tpu.memory_space<semaphore_mem>>)
        %dma_wait3A_148 = arith.constant 0 : i32
        %dma_wait3A_149 = arith.constant 0 : i32
        %dma_wait3A_150 = tpu.memref_slice %arg8[%run_scoped3A_23, %dma_wait3A_148, %dma_wait3A_149] : memref<2x16x125xi32, #tpu.memory_space<vmem>> -> memref<1x16x125xi32, #tpu.memory_space<vmem>>
        %dma_wait3A_151 = tpu.memref_squeeze %dma_wait3A_150 : memref<1x16x125xi32, #tpu.memory_space<vmem>> -> memref<16x125xi32, #tpu.memory_space<vmem>>
        %dma_wait3A_152 = arith.constant 0 : i32
        %dma_wait3A_153 = tpu.memref_slice %arg4[%mul3A_2, %dma_wait3A_152] : memref<6400x125xi32, #tpu.memory_space<hbm>> -> memref<16x125xi32, #tpu.memory_space<hbm>>
        %dma_wait3A_154 = arith.constant 0 : i32
        %dma_wait3A_155 = arith.constant 0 : i32
        %dma_wait3A_156 = tpu.memref_slice %arg8[%run_scoped3A_23, %dma_wait3A_154, %dma_wait3A_155] : memref<2x16x125xi32, #tpu.memory_space<vmem>> -> memref<1x16x125xi32, #tpu.memory_space<vmem>>
        %dma_wait3A_157 = tpu.memref_squeeze %dma_wait3A_156 : memref<1x16x125xi32, #tpu.memory_space<vmem>> -> memref<16x125xi32, #tpu.memory_space<vmem>>
        %dma_wait3A_158 = arith.constant 0 : i32
        %dma_wait3A_159 = tpu.memref_slice %arg4[%mul3A_2, %dma_wait3A_158] : memref<6400x125xi32, #tpu.memory_space<hbm>> -> memref<16x125xi32, #tpu.memory_space<hbm>>
        tpu.wait_dma2 semaphore(%run_scoped3A_135 : memref<!tpu.dma_semaphore, #tpu.memory_space<semaphore_mem>>) src(%dma_wait3A_159 : memref<16x125xi32, #tpu.memory_space<hbm>>) dst(%dma_wait3A_157 : memref<16x125xi32, #tpu.memory_space<vmem>>)
        tpu.yield
      }) : () -> ()
      %dma_start3A_24 = arith.constant 0 : i32
      %dma_start3A_25 = arith.constant 0 : i32
      %dma_start3A_26 = arith.constant 0 : i32
      %dma_start3A_27 = arith.constant 0 : i32
      %dma_start3A_28 = arith.constant 0 : i32
      %dma_start3A_29 = arith.constant 0 : i32
      %dma_start3A_30 = tpu.memref_slice %arg9[%dma_start3A_27, %dma_start3A_28, %dma_start3A_29] : memref<5x125x32xf32, #tpu.memory_space<vmem>> -> memref<1x125x32xf32, #tpu.memory_space<vmem>>
      %dma_start3A_31 = tpu.memref_squeeze %dma_start3A_30 : memref<1x125x32xf32, #tpu.memory_space<vmem>> -> memref<125x32xf32, #tpu.memory_space<vmem>>
      %dma_start3A_32 = arith.constant 0 : i32
      %dma_start3A_33 = arith.constant 0 : i32
      %dma_start3A_34 = tpu.memref_slice %arg7[%dma_start3A_25, %dma_start3A_32, %dma_start3A_33] : memref<2x16x125xi32, #tpu.memory_space<vmem>> -> memref<1x16x125xi32, #tpu.memory_space<vmem>>
      %dma_start3A_35 = tpu.memref_squeeze %dma_start3A_34 : memref<1x16x125xi32, #tpu.memory_space<vmem>> -> memref<16x125xi32, #tpu.memory_space<vmem>>
      %dma_start3A_36 = arith.constant 0 : i32
      %dma_start3A_37 = tpu.memref_slice %dma_start3A_35[%dma_start3A_26, %dma_start3A_36] : memref<16x125xi32, #tpu.memory_space<vmem>> -> memref<1x125xi32, #tpu.memory_space<vmem>>
      %dma_start3A_38 = tpu.memref_squeeze %dma_start3A_37 : memref<1x125xi32, #tpu.memory_space<vmem>> -> memref<125xi32, #tpu.memory_space<vmem>>
      %dma_start3A_39 = arith.constant 0 : i32
      %dma_start3A_40 = arith.constant 0 : i32
      %dma_start3A_41 = tpu.memref_slice %arg2[%dma_start3A_24, %dma_start3A_39, %dma_start3A_40] : memref<2x50176x32xf32, #tpu.memory_space<hbm>> -> memref<1x50176x32xf32, #tpu.memory_space<hbm>>
      %dma_start3A_42 = tpu.memref_squeeze %dma_start3A_41 : memref<1x50176x32xf32, #tpu.memory_space<hbm>> -> memref<50176x32xf32, #tpu.memory_space<hbm>>
      %dma_start3A_43 = arith.constant 0 : i32
      %dma_start3A_44 = arith.constant 0 : i32
      %dma_start3A_45 = tpu.memref_slice %dma_start3A_42[%dma_start3A_43, %dma_start3A_44] : memref<50176x32xf32, #tpu.memory_space<hbm>> -> memref<50176x32xf32, #tpu.memory_space<hbm>>
      tpu.enqueue_indirect_dma source(%dma_start3A_45 : memref<50176x32xf32, #tpu.memory_space<hbm>>) target(%dma_start3A_31 : memref<125x32xf32, #tpu.memory_space<vmem>>) offsets(%dma_start3A_38 : memref<125xi32, #tpu.memory_space<vmem>>) semaphore(%arg11 : memref<!tpu.dma_semaphore, #tpu.memory_space<semaphore_mem>>)
      %dma_start3A_46 = arith.constant 0 : i32
      %dma_start3A_47 = arith.constant 0 : i32
      %dma_start3A_48 = arith.constant 1 : i32
      %dma_start3A_49 = arith.constant 1 : i32
      %dma_start3A_50 = arith.constant 0 : i32
      %dma_start3A_51 = arith.constant 0 : i32
      %dma_start3A_52 = tpu.memref_slice %arg9[%dma_start3A_49, %dma_start3A_50, %dma_start3A_51] : memref<5x125x32xf32, #tpu.memory_space<vmem>> -> memref<1x125x32xf32, #tpu.memory_space<vmem>>
      %dma_start3A_53 = tpu.memref_squeeze %dma_start3A_52 : memref<1x125x32xf32, #tpu.memory_space<vmem>> -> memref<125x32xf32, #tpu.memory_space<vmem>>
      %dma_start3A_54 = arith.constant 0 : i32
      %dma_start3A_55 = arith.constant 0 : i32
      %dma_start3A_56 = tpu.memref_slice %arg7[%dma_start3A_47, %dma_start3A_54, %dma_start3A_55] : memref<2x16x125xi32, #tpu.memory_space<vmem>> -> memref<1x16x125xi32, #tpu.memory_space<vmem>>
      %dma_start3A_57 = tpu.memref_squeeze %dma_start3A_56 : memref<1x16x125xi32, #tpu.memory_space<vmem>> -> memref<16x125xi32, #tpu.memory_space<vmem>>
      %dma_start3A_58 = arith.constant 0 : i32
      %dma_start3A_59 = tpu.memref_slice %dma_start3A_57[%dma_start3A_48, %dma_start3A_58] : memref<16x125xi32, #tpu.memory_space<vmem>> -> memref<1x125xi32, #tpu.memory_space<vmem>>
      %dma_start3A_60 = tpu.memref_squeeze %dma_start3A_59 : memref<1x125xi32, #tpu.memory_space<vmem>> -> memref<125xi32, #tpu.memory_space<vmem>>
      %dma_start3A_61 = arith.constant 0 : i32
      %dma_start3A_62 = arith.constant 0 : i32
      %dma_start3A_63 = tpu.memref_slice %arg2[%dma_start3A_46, %dma_start3A_61, %dma_start3A_62] : memref<2x50176x32xf32, #tpu.memory_space<hbm>> -> memref<1x50176x32xf32, #tpu.memory_space<hbm>>
      %dma_start3A_64 = tpu.memref_squeeze %dma_start3A_63 : memref<1x50176x32xf32, #tpu.memory_space<hbm>> -> memref<50176x32xf32, #tpu.memory_space<hbm>>
      %dma_start3A_65 = arith.constant 0 : i32
      %dma_start3A_66 = arith.constant 0 : i32
      %dma_start3A_67 = tpu.memref_slice %dma_start3A_64[%dma_start3A_65, %dma_start3A_66] : memref<50176x32xf32, #tpu.memory_space<hbm>> -> memref<50176x32xf32, #tpu.memory_space<hbm>>
      tpu.enqueue_indirect_dma source(%dma_start3A_67 : memref<50176x32xf32, #tpu.memory_space<hbm>>) target(%dma_start3A_53 : memref<125x32xf32, #tpu.memory_space<vmem>>) offsets(%dma_start3A_60 : memref<125xi32, #tpu.memory_space<vmem>>) semaphore(%arg11 : memref<!tpu.dma_semaphore, #tpu.memory_space<semaphore_mem>>)
      %dma_start3A_68 = arith.constant 0 : i32
      %dma_start3A_69 = arith.constant 0 : i32
      %dma_start3A_70 = arith.constant 2 : i32
      %dma_start3A_71 = arith.constant 2 : i32
      %dma_start3A_72 = arith.constant 0 : i32
      %dma_start3A_73 = arith.constant 0 : i32
      %dma_start3A_74 = tpu.memref_slice %arg9[%dma_start3A_71, %dma_start3A_72, %dma_start3A_73] : memref<5x125x32xf32, #tpu.memory_space<vmem>> -> memref<1x125x32xf32, #tpu.memory_space<vmem>>
      %dma_start3A_75 = tpu.memref_squeeze %dma_start3A_74 : memref<1x125x32xf32, #tpu.memory_space<vmem>> -> memref<125x32xf32, #tpu.memory_space<vmem>>
      %dma_start3A_76 = arith.constant 0 : i32
      %dma_start3A_77 = arith.constant 0 : i32
      %dma_start3A_78 = tpu.memref_slice %arg7[%dma_start3A_69, %dma_start3A_76, %dma_start3A_77] : memref<2x16x125xi32, #tpu.memory_space<vmem>> -> memref<1x16x125xi32, #tpu.memory_space<vmem>>
      %dma_start3A_79 = tpu.memref_squeeze %dma_start3A_78 : memref<1x16x125xi32, #tpu.memory_space<vmem>> -> memref<16x125xi32, #tpu.memory_space<vmem>>
      %dma_start3A_80 = arith.constant 0 : i32
      %dma_start3A_81 = tpu.memref_slice %dma_start3A_79[%dma_start3A_70, %dma_start3A_80] : memref<16x125xi32, #tpu.memory_space<vmem>> -> memref<1x125xi32, #tpu.memory_space<vmem>>
      %dma_start3A_82 = tpu.memref_squeeze %dma_start3A_81 : memref<1x125xi32, #tpu.memory_space<vmem>> -> memref<125xi32, #tpu.memory_space<vmem>>
      %dma_start3A_83 = arith.constant 0 : i32
      %dma_start3A_84 = arith.constant 0 : i32
      %dma_start3A_85 = tpu.memref_slice %arg2[%dma_start3A_68, %dma_start3A_83, %dma_start3A_84] : memref<2x50176x32xf32, #tpu.memory_space<hbm>> -> memref<1x50176x32xf32, #tpu.memory_space<hbm>>
      %dma_start3A_86 = tpu.memref_squeeze %dma_start3A_85 : memref<1x50176x32xf32, #tpu.memory_space<hbm>> -> memref<50176x32xf32, #tpu.memory_space<hbm>>
      %dma_start3A_87 = arith.constant 0 : i32
      %dma_start3A_88 = arith.constant 0 : i32
      %dma_start3A_89 = tpu.memref_slice %dma_start3A_86[%dma_start3A_87, %dma_start3A_88] : memref<50176x32xf32, #tpu.memory_space<hbm>> -> memref<50176x32xf32, #tpu.memory_space<hbm>>
      tpu.enqueue_indirect_dma source(%dma_start3A_89 : memref<50176x32xf32, #tpu.memory_space<hbm>>) target(%dma_start3A_75 : memref<125x32xf32, #tpu.memory_space<vmem>>) offsets(%dma_start3A_82 : memref<125xi32, #tpu.memory_space<vmem>>) semaphore(%arg11 : memref<!tpu.dma_semaphore, #tpu.memory_space<semaphore_mem>>)
      %dma_wait3A = arith.constant 0 : i32
      %dma_wait3A_90 = tpu.memref_slice %arg10[%mul3A_0, %dma_wait3A] : memref<50176x32xf32, #tpu.memory_space<vmem_shared>> -> memref<3136x32xf32, #tpu.memory_space<vmem_shared>>
      %dma_wait3A_91 = arith.constant 0 : i32
      %dma_wait3A_92 = tpu.memref_slice %arg5[%mul3A_0, %dma_wait3A_91] : memref<50176x32xf32, #tpu.memory_space<hbm>> -> memref<3136x32xf32, #tpu.memory_space<hbm>>
      tpu.wait_dma2 semaphore(%arg14 : memref<!tpu.dma_semaphore, #tpu.memory_space<semaphore_mem>>) src(%dma_wait3A_92 : memref<3136x32xf32, #tpu.memory_space<hbm>>) dst(%dma_wait3A_90 : memref<3136x32xf32, #tpu.memory_space<vmem_shared>>)
      %barrier3A_93 = arith.constant 0 : index
      tpu.barrier barrier_id(%barrier3A_93)
      %scan3A = arith.constant 0 : i32
      %scan3A_94 = arith.constant 0 : i32
      %scan3A_95 = arith.constant 0 : i32
      %scan3A_96 = arith.constant 400 : i32
      %scan3A_97 = arith.addi %scan3A_95, %scan3A_96 : i32
      %scan3A_98 = arith.constant 1 : i32
      %scan3A_99 = scf.for %scan3A_135 = %scan3A_95 to %scan3A_97 step %scan3A_98 iter_args(%scan3A_136 = %scan3A_94) -> (i32)  : i32 {
        %jit3A = arith.constant 16 : i32
        %div3A = arith.divsi %scan3A_135, %jit3A : i32
        %sign3A = arith.constant 0 : i32
        %sign3A_137 = arith.cmpi sgt, %scan3A_135, %sign3A : i32
        %sign3A_138 = arith.extui %sign3A_137 : i1 to i32
        %sign3A_139 = arith.constant 0 : i32
        %sign3A_140 = arith.cmpi slt, %scan3A_135, %sign3A_139 : i32
        %sign3A_141 = arith.extui %sign3A_140 : i1 to i32
        %sign3A_142 = arith.subi %sign3A_138, %sign3A_141 : i32
        %sign3A_143 = arith.constant 0 : i32
        %sign3A_144 = arith.cmpi sgt, %jit3A, %sign3A_143 : i32
        %sign3A_145 = arith.extui %sign3A_144 : i1 to i32
        %sign3A_146 = arith.constant 0 : i32
        %sign3A_147 = arith.cmpi slt, %jit3A, %sign3A_146 : i32
        %sign3A_148 = arith.extui %sign3A_147 : i1 to i32
        %sign3A_149 = arith.subi %sign3A_145, %sign3A_148 : i32
        %ne3A = arith.cmpi ne, %sign3A_142, %sign3A_149 : i32
        %rem3A = arith.remsi %scan3A_135, %jit3A : i32
        %ne3A_150 = arith.constant 0 : i32
        %ne3A_151 = arith.cmpi ne, %rem3A, %ne3A_150 : i32
        %and3A = arith.andi %ne3A, %ne3A_151 : i1
        %sub3A = arith.constant 1 : i32
        %sub3A_152 = arith.subi %div3A, %sub3A : i32
        %select_n3A = arith.select %and3A, %sub3A_152, %div3A : i32
        %jit3A_153 = arith.constant 16 : i32
        %eq3A_154 = arith.constant 0 : i32
        %eq3A_155 = arith.cmpi eq, %jit3A_153, %eq3A_154 : i32
        %jit3A_156 = arith.constant 1 : i32
        %select_n3A_157 = arith.select %eq3A_155, %jit3A_156, %jit3A_153 : i32
        %rem3A_158 = arith.remsi %scan3A_135, %select_n3A_157 : i32
        %ne3A_159 = arith.constant 0 : i32
        %ne3A_160 = arith.cmpi ne, %rem3A_158, %ne3A_159 : i32
        %lt3A = arith.constant 0 : i32
        %lt3A_161 = arith.cmpi slt, %rem3A_158, %lt3A : i32
        %lt3A_162 = arith.constant 0 : i32
        %lt3A_163 = arith.cmpi slt, %select_n3A_157, %lt3A_162 : i32
        %ne3A_164 = arith.xori %lt3A_161, %lt3A_163 : i1
        %and3A_165 = arith.andi %ne3A_164, %ne3A_160 : i1
        %add3A = arith.addi %rem3A_158, %select_n3A_157 : i32
        %select_n3A_166 = arith.select %and3A_165, %add3A, %rem3A_158 : i32
        %jit3A_167 = arith.constant 2 : i32
        %eq3A_168 = arith.constant 0 : i32
        %eq3A_169 = arith.cmpi eq, %jit3A_167, %eq3A_168 : i32
        %jit3A_170 = arith.constant 1 : i32
        %select_n3A_171 = arith.select %eq3A_169, %jit3A_170, %jit3A_167 : i32
        %rem3A_172 = arith.remsi %select_n3A, %select_n3A_171 : i32
        %ne3A_173 = arith.constant 0 : i32
        %ne3A_174 = arith.cmpi ne, %rem3A_172, %ne3A_173 : i32
        %lt3A_175 = arith.constant 0 : i32
        %lt3A_176 = arith.cmpi slt, %rem3A_172, %lt3A_175 : i32
        %lt3A_177 = arith.constant 0 : i32
        %lt3A_178 = arith.cmpi slt, %select_n3A_171, %lt3A_177 : i32
        %ne3A_179 = arith.xori %lt3A_176, %lt3A_178 : i1
        %and3A_180 = arith.andi %ne3A_179, %ne3A_174 : i1
        %add3A_181 = arith.addi %rem3A_172, %select_n3A_171 : i32
        %select_n3A_182 = arith.select %and3A_180, %add3A_181, %rem3A_172 : i32
        %eq3A_183 = arith.constant 0 : i32
        %eq3A_184 = arith.cmpi eq, %select_n3A_166, %eq3A_183 : i32
        %add3A_185 = arith.constant 1 : i32
        %add3A_186 = arith.addi %select_n3A, %add3A_185 : i32
        %lt3A_187 = arith.constant 25 : i32
        %lt3A_188 = arith.cmpi slt, %add3A_186, %lt3A_187 : i32
        %and3A_189 = arith.andi %eq3A_184, %lt3A_188 : i1
        %convert_element_type3A_190 = arith.extui %and3A_189 : i1 to i32
        %cond3A_191 = arith.constant 0 : i32
        %cond3A_192 = arith.cmpi ne, %convert_element_type3A_190, %cond3A_191 : i32
        scf.if %cond3A_192 {
          %add3A_263 = arith.constant 1 : i32
          %add3A_264 = arith.addi %select_n3A, %add3A_263 : i32
          %mul3A_265 = arith.constant 16 : i32
          %mul3A_266 = arith.muli %add3A_264, %mul3A_265 : i32
          %add3A_267 = arith.addi %mul3A_2, %mul3A_266 : i32
          %sub3A_268 = arith.constant 1 : i32
          %sub3A_269 = arith.subi %sub3A_268, %select_n3A_182 : i32
          %dma_start3A_270 = arith.constant 0 : i32
          %dma_start3A_271 = arith.constant 0 : i32
          %dma_start3A_272 = tpu.memref_slice %arg7[%sub3A_269, %dma_start3A_270, %dma_start3A_271] : memref<2x16x125xi32, #tpu.memory_space<vmem>> -> memref<1x16x125xi32, #tpu.memory_space<vmem>>
          %dma_start3A_273 = tpu.memref_squeeze %dma_start3A_272 : memref<1x16x125xi32, #tpu.memory_space<vmem>> -> memref<16x125xi32, #tpu.memory_space<vmem>>
          %dma_start3A_274 = arith.constant 0 : i32
          %dma_start3A_275 = tpu.memref_slice %arg3[%add3A_267, %dma_start3A_274] : memref<6400x125xi32, #tpu.memory_space<hbm>> -> memref<16x125xi32, #tpu.memory_space<hbm>>
          %dma_start3A_276 = arith.constant 0 : i32
          %dma_start3A_277 = arith.constant 0 : i32
          %dma_start3A_278 = tpu.memref_slice %arg7[%sub3A_269, %dma_start3A_276, %dma_start3A_277] : memref<2x16x125xi32, #tpu.memory_space<vmem>> -> memref<1x16x125xi32, #tpu.memory_space<vmem>>
          %dma_start3A_279 = tpu.memref_squeeze %dma_start3A_278 : memref<1x16x125xi32, #tpu.memory_space<vmem>> -> memref<16x125xi32, #tpu.memory_space<vmem>>
          %dma_start3A_280 = arith.constant 0 : i32
          %dma_start3A_281 = tpu.memref_slice %arg3[%add3A_267, %dma_start3A_280] : memref<6400x125xi32, #tpu.memory_space<hbm>> -> memref<16x125xi32, #tpu.memory_space<hbm>>
          tpu.enqueue_dma source(%dma_start3A_281 : memref<16x125xi32, #tpu.memory_space<hbm>>) target(%dma_start3A_279 : memref<16x125xi32, #tpu.memory_space<vmem>>) target_semaphore(%arg13 : memref<!tpu.dma_semaphore, #tpu.memory_space<semaphore_mem>>)
          %sub3A_282 = arith.constant 1 : i32
          %sub3A_283 = arith.subi %sub3A_282, %select_n3A_182 : i32
          %dma_start3A_284 = arith.constant 0 : i32
          %dma_start3A_285 = arith.constant 0 : i32
          %dma_start3A_286 = tpu.memref_slice %arg8[%sub3A_283, %dma_start3A_284, %dma_start3A_285] : memref<2x16x125xi32, #tpu.memory_space<vmem>> -> memref<1x16x125xi32, #tpu.memory_space<vmem>>
          %dma_start3A_287 = tpu.memref_squeeze %dma_start3A_286 : memref<1x16x125xi32, #tpu.memory_space<vmem>> -> memref<16x125xi32, #tpu.memory_space<vmem>>
          %dma_start3A_288 = arith.constant 0 : i32
          %dma_start3A_289 = tpu.memref_slice %arg4[%add3A_267, %dma_start3A_288] : memref<6400x125xi32, #tpu.memory_space<hbm>> -> memref<16x125xi32, #tpu.memory_space<hbm>>
          %dma_start3A_290 = arith.constant 0 : i32
          %dma_start3A_291 = arith.constant 0 : i32
          %dma_start3A_292 = tpu.memref_slice %arg8[%sub3A_283, %dma_start3A_290, %dma_start3A_291] : memref<2x16x125xi32, #tpu.memory_space<vmem>> -> memref<1x16x125xi32, #tpu.memory_space<vmem>>
          %dma_start3A_293 = tpu.memref_squeeze %dma_start3A_292 : memref<1x16x125xi32, #tpu.memory_space<vmem>> -> memref<16x125xi32, #tpu.memory_space<vmem>>
          %dma_start3A_294 = arith.constant 0 : i32
          %dma_start3A_295 = tpu.memref_slice %arg4[%add3A_267, %dma_start3A_294] : memref<6400x125xi32, #tpu.memory_space<hbm>> -> memref<16x125xi32, #tpu.memory_space<hbm>>
          tpu.enqueue_dma source(%dma_start3A_295 : memref<16x125xi32, #tpu.memory_space<hbm>>) target(%dma_start3A_293 : memref<16x125xi32, #tpu.memory_space<vmem>>) target_semaphore(%arg13 : memref<!tpu.dma_semaphore, #tpu.memory_space<semaphore_mem>>)
        } else {
        }
        %eq3A_193 = arith.constant 8 : i32
        %eq3A_194 = arith.cmpi eq, %select_n3A_166, %eq3A_193 : i32
        %add3A_195 = arith.constant 1 : i32
        %add3A_196 = arith.addi %select_n3A, %add3A_195 : i32
        %lt3A_197 = arith.constant 25 : i32
        %lt3A_198 = arith.cmpi slt, %add3A_196, %lt3A_197 : i32
        %and3A_199 = arith.andi %eq3A_194, %lt3A_198 : i1
        %convert_element_type3A_200 = arith.extui %and3A_199 : i1 to i32
        %cond3A_201 = arith.constant 0 : i32
        %cond3A_202 = arith.cmpi ne, %convert_element_type3A_200, %cond3A_201 : i32
        scf.if %cond3A_202 {
          %add3A_263 = arith.constant 1 : i32
          %add3A_264 = arith.addi %select_n3A, %add3A_263 : i32
          %mul3A_265 = arith.constant 16 : i32
          %mul3A_266 = arith.muli %add3A_264, %mul3A_265 : i32
          %add3A_267 = arith.addi %mul3A_2, %mul3A_266 : i32
          %sub3A_268 = arith.constant 1 : i32
          %sub3A_269 = arith.subi %sub3A_268, %select_n3A_182 : i32
          %dma_wait3A_270 = arith.constant 0 : i32
          %dma_wait3A_271 = arith.constant 0 : i32
          %dma_wait3A_272 = tpu.memref_slice %arg7[%sub3A_269, %dma_wait3A_270, %dma_wait3A_271] : memref<2x16x125xi32, #tpu.memory_space<vmem>> -> memref<1x16x125xi32, #tpu.memory_space<vmem>>
          %dma_wait3A_273 = tpu.memref_squeeze %dma_wait3A_272 : memref<1x16x125xi32, #tpu.memory_space<vmem>> -> memref<16x125xi32, #tpu.memory_space<vmem>>
          %dma_wait3A_274 = arith.constant 0 : i32
          %dma_wait3A_275 = tpu.memref_slice %arg3[%add3A_267, %dma_wait3A_274] : memref<6400x125xi32, #tpu.memory_space<hbm>> -> memref<16x125xi32, #tpu.memory_space<hbm>>
          %dma_wait3A_276 = arith.constant 0 : i32
          %dma_wait3A_277 = arith.constant 0 : i32
          %dma_wait3A_278 = tpu.memref_slice %arg7[%sub3A_269, %dma_wait3A_276, %dma_wait3A_277] : memref<2x16x125xi32, #tpu.memory_space<vmem>> -> memref<1x16x125xi32, #tpu.memory_space<vmem>>
          %dma_wait3A_279 = tpu.memref_squeeze %dma_wait3A_278 : memref<1x16x125xi32, #tpu.memory_space<vmem>> -> memref<16x125xi32, #tpu.memory_space<vmem>>
          %dma_wait3A_280 = arith.constant 0 : i32
          %dma_wait3A_281 = tpu.memref_slice %arg3[%add3A_267, %dma_wait3A_280] : memref<6400x125xi32, #tpu.memory_space<hbm>> -> memref<16x125xi32, #tpu.memory_space<hbm>>
          tpu.wait_dma2 semaphore(%arg13 : memref<!tpu.dma_semaphore, #tpu.memory_space<semaphore_mem>>) src(%dma_wait3A_281 : memref<16x125xi32, #tpu.memory_space<hbm>>) dst(%dma_wait3A_279 : memref<16x125xi32, #tpu.memory_space<vmem>>)
          %sub3A_282 = arith.constant 1 : i32
          %sub3A_283 = arith.subi %sub3A_282, %select_n3A_182 : i32
          %dma_wait3A_284 = arith.constant 0 : i32
          %dma_wait3A_285 = arith.constant 0 : i32
          %dma_wait3A_286 = tpu.memref_slice %arg8[%sub3A_283, %dma_wait3A_284, %dma_wait3A_285] : memref<2x16x125xi32, #tpu.memory_space<vmem>> -> memref<1x16x125xi32, #tpu.memory_space<vmem>>
          %dma_wait3A_287 = tpu.memref_squeeze %dma_wait3A_286 : memref<1x16x125xi32, #tpu.memory_space<vmem>> -> memref<16x125xi32, #tpu.memory_space<vmem>>
          %dma_wait3A_288 = arith.constant 0 : i32
          %dma_wait3A_289 = tpu.memref_slice %arg4[%add3A_267, %dma_wait3A_288] : memref<6400x125xi32, #tpu.memory_space<hbm>> -> memref<16x125xi32, #tpu.memory_space<hbm>>
          %dma_wait3A_290 = arith.constant 0 : i32
          %dma_wait3A_291 = arith.constant 0 : i32
          %dma_wait3A_292 = tpu.memref_slice %arg8[%sub3A_283, %dma_wait3A_290, %dma_wait3A_291] : memref<2x16x125xi32, #tpu.memory_space<vmem>> -> memref<1x16x125xi32, #tpu.memory_space<vmem>>
          %dma_wait3A_293 = tpu.memref_squeeze %dma_wait3A_292 : memref<1x16x125xi32, #tpu.memory_space<vmem>> -> memref<16x125xi32, #tpu.memory_space<vmem>>
          %dma_wait3A_294 = arith.constant 0 : i32
          %dma_wait3A_295 = tpu.memref_slice %arg4[%add3A_267, %dma_wait3A_294] : memref<6400x125xi32, #tpu.memory_space<hbm>> -> memref<16x125xi32, #tpu.memory_space<hbm>>
          tpu.wait_dma2 semaphore(%arg13 : memref<!tpu.dma_semaphore, #tpu.memory_space<semaphore_mem>>) src(%dma_wait3A_295 : memref<16x125xi32, #tpu.memory_space<hbm>>) dst(%dma_wait3A_293 : memref<16x125xi32, #tpu.memory_space<vmem>>)
        } else {
        }
        %jit3A_203 = arith.constant 5 : i32
        %eq3A_204 = arith.constant 0 : i32
        %eq3A_205 = arith.cmpi eq, %jit3A_203, %eq3A_204 : i32
        %jit3A_206 = arith.constant 1 : i32
        %select_n3A_207 = arith.select %eq3A_205, %jit3A_206, %jit3A_203 : i32
        %rem3A_208 = arith.remsi %scan3A_135, %select_n3A_207 : i32
        %ne3A_209 = arith.constant 0 : i32
        %ne3A_210 = arith.cmpi ne, %rem3A_208, %ne3A_209 : i32
        %lt3A_211 = arith.constant 0 : i32
        %lt3A_212 = arith.cmpi slt, %rem3A_208, %lt3A_211 : i32
        %lt3A_213 = arith.constant 0 : i32
        %lt3A_214 = arith.cmpi slt, %select_n3A_207, %lt3A_213 : i32
        %ne3A_215 = arith.xori %lt3A_212, %lt3A_214 : i1
        %and3A_216 = arith.andi %ne3A_215, %ne3A_210 : i1
        %add3A_217 = arith.addi %rem3A_208, %select_n3A_207 : i32
        %select_n3A_218 = arith.select %and3A_216, %add3A_217, %rem3A_208 : i32
        %dma_wait3A_219 = arith.constant 0 : i32
        %dma_wait3A_220 = arith.constant 0 : i32
        %dma_wait3A_221 = tpu.memref_slice %arg9[%select_n3A_218, %dma_wait3A_219, %dma_wait3A_220] : memref<5x125x32xf32, #tpu.memory_space<vmem>> -> memref<1x125x32xf32, #tpu.memory_space<vmem>>
        %dma_wait3A_222 = tpu.memref_squeeze %dma_wait3A_221 : memref<1x125x32xf32, #tpu.memory_space<vmem>> -> memref<125x32xf32, #tpu.memory_space<vmem>>
        %dma_wait3A_223 = arith.constant 0 : i32
        %dma_wait3A_224 = arith.constant 0 : i32
        %dma_wait3A_225 = tpu.memref_slice %arg7[%select_n3A_182, %dma_wait3A_223, %dma_wait3A_224] : memref<2x16x125xi32, #tpu.memory_space<vmem>> -> memref<1x16x125xi32, #tpu.memory_space<vmem>>
        %dma_wait3A_226 = tpu.memref_squeeze %dma_wait3A_225 : memref<1x16x125xi32, #tpu.memory_space<vmem>> -> memref<16x125xi32, #tpu.memory_space<vmem>>
        %dma_wait3A_227 = arith.constant 0 : i32
        %dma_wait3A_228 = tpu.memref_slice %dma_wait3A_226[%select_n3A_166, %dma_wait3A_227] : memref<16x125xi32, #tpu.memory_space<vmem>> -> memref<1x125xi32, #tpu.memory_space<vmem>>
        %dma_wait3A_229 = tpu.memref_squeeze %dma_wait3A_228 : memref<1x125xi32, #tpu.memory_space<vmem>> -> memref<125xi32, #tpu.memory_space<vmem>>
        %dma_wait3A_230 = arith.constant 0 : i32
        %dma_wait3A_231 = arith.constant 0 : i32
        %dma_wait3A_232 = tpu.memref_slice %arg2[%scan3A, %dma_wait3A_230, %dma_wait3A_231] : memref<2x50176x32xf32, #tpu.memory_space<hbm>> -> memref<1x50176x32xf32, #tpu.memory_space<hbm>>
        %dma_wait3A_233 = tpu.memref_squeeze %dma_wait3A_232 : memref<1x50176x32xf32, #tpu.memory_space<hbm>> -> memref<50176x32xf32, #tpu.memory_space<hbm>>
        %dma_wait3A_234 = arith.constant 0 : i32
        %dma_wait3A_235 = arith.constant 0 : i32
        %dma_wait3A_236 = tpu.memref_slice %dma_wait3A_233[%dma_wait3A_234, %dma_wait3A_235] : memref<50176x32xf32, #tpu.memory_space<hbm>> -> memref<50176x32xf32, #tpu.memory_space<hbm>>
        tpu.wait_indirect_dma semaphore(%arg11 : memref<!tpu.dma_semaphore, #tpu.memory_space<semaphore_mem>>) src(%dma_wait3A_236 : memref<50176x32xf32, #tpu.memory_space<hbm>>) dst(%dma_wait3A_222 : memref<125x32xf32, #tpu.memory_space<vmem>>)
        %dma_start3A_237 = arith.constant 0 : i32
        %dma_start3A_238 = arith.constant 0 : i32
        %dma_start3A_239 = tpu.memref_slice %arg9[%select_n3A_218, %dma_start3A_237, %dma_start3A_238] : memref<5x125x32xf32, #tpu.memory_space<vmem>> -> memref<1x125x32xf32, #tpu.memory_space<vmem>>
        %dma_start3A_240 = tpu.memref_squeeze %dma_start3A_239 : memref<1x125x32xf32, #tpu.memory_space<vmem>> -> memref<125x32xf32, #tpu.memory_space<vmem>>
        %dma_start3A_241 = arith.constant 0 : i32
        %dma_start3A_242 = arith.constant 0 : i32
        %dma_start3A_243 = tpu.memref_slice %arg8[%select_n3A_182, %dma_start3A_241, %dma_start3A_242] : memref<2x16x125xi32, #tpu.memory_space<vmem>> -> memref<1x16x125xi32, #tpu.memory_space<vmem>>
        %dma_start3A_244 = tpu.memref_squeeze %dma_start3A_243 : memref<1x16x125xi32, #tpu.memory_space<vmem>> -> memref<16x125xi32, #tpu.memory_space<vmem>>
        %dma_start3A_245 = arith.constant 0 : i32
        %dma_start3A_246 = tpu.memref_slice %dma_start3A_244[%select_n3A_166, %dma_start3A_245] : memref<16x125xi32, #tpu.memory_space<vmem>> -> memref<1x125xi32, #tpu.memory_space<vmem>>
        %dma_start3A_247 = tpu.memref_squeeze %dma_start3A_246 : memref<1x125xi32, #tpu.memory_space<vmem>> -> memref<125xi32, #tpu.memory_space<vmem>>
        %dma_start3A_248 = arith.constant 0 : i32
        %dma_start3A_249 = arith.constant 0 : i32
        %dma_start3A_250 = tpu.memref_slice %arg10[%dma_start3A_248, %dma_start3A_249] : memref<50176x32xf32, #tpu.memory_space<vmem_shared>> -> memref<50176x32xf32, #tpu.memory_space<vmem_shared>>
        tpu.enqueue_indirect_dma source(%dma_start3A_240 : memref<125x32xf32, #tpu.memory_space<vmem>>) target(%dma_start3A_250 : memref<50176x32xf32, #tpu.memory_space<vmem_shared>>) offsets(%dma_start3A_247 : memref<125xi32, #tpu.memory_space<vmem>>) semaphore(%arg12 : memref<!tpu.dma_semaphore, #tpu.memory_space<semaphore_mem>>) {add = true}
        %ge3A = arith.constant 2 : i32
        %ge3A_251 = arith.cmpi sge, %scan3A_135, %ge3A : i32
        %convert_element_type3A_252 = arith.extui %ge3A_251 : i1 to i32
        %cond3A_253 = arith.constant 0 : i32
        %cond3A_254 = arith.cmpi ne, %convert_element_type3A_252, %cond3A_253 : i32
        scf.if %cond3A_254 {
          %dma_wait3A_263 = arith.constant 0 : i32
          %dma_wait3A_264 = arith.constant 0 : i32
          %dma_wait3A_265 = tpu.memref_slice %arg9[%select_n3A_218, %dma_wait3A_263, %dma_wait3A_264] : memref<5x125x32xf32, #tpu.memory_space<vmem>> -> memref<1x125x32xf32, #tpu.memory_space<vmem>>
          %dma_wait3A_266 = tpu.memref_squeeze %dma_wait3A_265 : memref<1x125x32xf32, #tpu.memory_space<vmem>> -> memref<125x32xf32, #tpu.memory_space<vmem>>
          %dma_wait3A_267 = arith.constant 0 : i32
          %dma_wait3A_268 = arith.constant 0 : i32
          %dma_wait3A_269 = tpu.memref_slice %arg8[%select_n3A_182, %dma_wait3A_267, %dma_wait3A_268] : memref<2x16x125xi32, #tpu.memory_space<vmem>> -> memref<1x16x125xi32, #tpu.memory_space<vmem>>
          %dma_wait3A_270 = tpu.memref_squeeze %dma_wait3A_269 : memref<1x16x125xi32, #tpu.memory_space<vmem>> -> memref<16x125xi32, #tpu.memory_space<vmem>>
          %dma_wait3A_271 = arith.constant 0 : i32
          %dma_wait3A_272 = tpu.memref_slice %dma_wait3A_270[%select_n3A_166, %dma_wait3A_271] : memref<16x125xi32, #tpu.memory_space<vmem>> -> memref<1x125xi32, #tpu.memory_space<vmem>>
          %dma_wait3A_273 = tpu.memref_squeeze %dma_wait3A_272 : memref<1x125xi32, #tpu.memory_space<vmem>> -> memref<125xi32, #tpu.memory_space<vmem>>
          %dma_wait3A_274 = arith.constant 0 : i32
          %dma_wait3A_275 = arith.constant 0 : i32
          %dma_wait3A_276 = tpu.memref_slice %arg10[%dma_wait3A_274, %dma_wait3A_275] : memref<50176x32xf32, #tpu.memory_space<vmem_shared>> -> memref<50176x32xf32, #tpu.memory_space<vmem_shared>>
          tpu.wait_indirect_dma semaphore(%arg12 : memref<!tpu.dma_semaphore, #tpu.memory_space<semaphore_mem>>) src(%dma_wait3A_266 : memref<125x32xf32, #tpu.memory_space<vmem>>) dst(%dma_wait3A_276 : memref<50176x32xf32, #tpu.memory_space<vmem_shared>>)
        } else {
        }
        %add3A_255 = arith.constant 3 : i32
        %add3A_256 = arith.addi %scan3A_135, %add3A_255 : i32
        %lt3A_257 = arith.constant 400 : i32
        %lt3A_258 = arith.cmpi slt, %add3A_256, %lt3A_257 : i32
        %convert_element_type3A_259 = arith.extui %lt3A_258 : i1 to i32
        %cond3A_260 = arith.constant 0 : i32
        %cond3A_261 = arith.cmpi ne, %convert_element_type3A_259, %cond3A_260 : i32
        scf.if %cond3A_261 {
          %add3A_263 = arith.constant 3 : i32
          %add3A_264 = arith.addi %scan3A_135, %add3A_263 : i32
          %jit3A_265 = arith.constant 16 : i32
          %div3A_266 = arith.divsi %add3A_264, %jit3A_265 : i32
          %sign3A_267 = arith.constant 0 : i32
          %sign3A_268 = arith.cmpi sgt, %add3A_264, %sign3A_267 : i32
          %sign3A_269 = arith.extui %sign3A_268 : i1 to i32
          %sign3A_270 = arith.constant 0 : i32
          %sign3A_271 = arith.cmpi slt, %add3A_264, %sign3A_270 : i32
          %sign3A_272 = arith.extui %sign3A_271 : i1 to i32
          %sign3A_273 = arith.subi %sign3A_269, %sign3A_272 : i32
          %sign3A_274 = arith.constant 0 : i32
          %sign3A_275 = arith.cmpi sgt, %jit3A_265, %sign3A_274 : i32
          %sign3A_276 = arith.extui %sign3A_275 : i1 to i32
          %sign3A_277 = arith.constant 0 : i32
          %sign3A_278 = arith.cmpi slt, %jit3A_265, %sign3A_277 : i32
          %sign3A_279 = arith.extui %sign3A_278 : i1 to i32
          %sign3A_280 = arith.subi %sign3A_276, %sign3A_279 : i32
          %ne3A_281 = arith.cmpi ne, %sign3A_273, %sign3A_280 : i32
          %rem3A_282 = arith.remsi %add3A_264, %jit3A_265 : i32
          %ne3A_283 = arith.constant 0 : i32
          %ne3A_284 = arith.cmpi ne, %rem3A_282, %ne3A_283 : i32
          %and3A_285 = arith.andi %ne3A_281, %ne3A_284 : i1
          %sub3A_286 = arith.constant 1 : i32
          %sub3A_287 = arith.subi %div3A_266, %sub3A_286 : i32
          %select_n3A_288 = arith.select %and3A_285, %sub3A_287, %div3A_266 : i32
          %jit3A_289 = arith.constant 2 : i32
          %eq3A_290 = arith.constant 0 : i32
          %eq3A_291 = arith.cmpi eq, %jit3A_289, %eq3A_290 : i32
          %jit3A_292 = arith.constant 1 : i32
          %select_n3A_293 = arith.select %eq3A_291, %jit3A_292, %jit3A_289 : i32
          %rem3A_294 = arith.remsi %select_n3A_288, %select_n3A_293 : i32
          %ne3A_295 = arith.constant 0 : i32
          %ne3A_296 = arith.cmpi ne, %rem3A_294, %ne3A_295 : i32
          %lt3A_297 = arith.constant 0 : i32
          %lt3A_298 = arith.cmpi slt, %rem3A_294, %lt3A_297 : i32
          %lt3A_299 = arith.constant 0 : i32
          %lt3A_300 = arith.cmpi slt, %select_n3A_293, %lt3A_299 : i32
          %ne3A_301 = arith.xori %lt3A_298, %lt3A_300 : i1
          %and3A_302 = arith.andi %ne3A_301, %ne3A_296 : i1
          %add3A_303 = arith.addi %rem3A_294, %select_n3A_293 : i32
          %select_n3A_304 = arith.select %and3A_302, %add3A_303, %rem3A_294 : i32
          %jit3A_305 = arith.constant 16 : i32
          %eq3A_306 = arith.constant 0 : i32
          %eq3A_307 = arith.cmpi eq, %jit3A_305, %eq3A_306 : i32
          %jit3A_308 = arith.constant 1 : i32
          %select_n3A_309 = arith.select %eq3A_307, %jit3A_308, %jit3A_305 : i32
          %rem3A_310 = arith.remsi %add3A_264, %select_n3A_309 : i32
          %ne3A_311 = arith.constant 0 : i32
          %ne3A_312 = arith.cmpi ne, %rem3A_310, %ne3A_311 : i32
          %lt3A_313 = arith.constant 0 : i32
          %lt3A_314 = arith.cmpi slt, %rem3A_310, %lt3A_313 : i32
          %lt3A_315 = arith.constant 0 : i32
          %lt3A_316 = arith.cmpi slt, %select_n3A_309, %lt3A_315 : i32
          %ne3A_317 = arith.xori %lt3A_314, %lt3A_316 : i1
          %and3A_318 = arith.andi %ne3A_317, %ne3A_312 : i1
          %add3A_319 = arith.addi %rem3A_310, %select_n3A_309 : i32
          %select_n3A_320 = arith.select %and3A_318, %add3A_319, %rem3A_310 : i32
          %jit3A_321 = arith.constant 5 : i32
          %eq3A_322 = arith.constant 0 : i32
          %eq3A_323 = arith.cmpi eq, %jit3A_321, %eq3A_322 : i32
          %jit3A_324 = arith.constant 1 : i32
          %select_n3A_325 = arith.select %eq3A_323, %jit3A_324, %jit3A_321 : i32
          %rem3A_326 = arith.remsi %add3A_264, %select_n3A_325 : i32
          %ne3A_327 = arith.constant 0 : i32
          %ne3A_328 = arith.cmpi ne, %rem3A_326, %ne3A_327 : i32
          %lt3A_329 = arith.constant 0 : i32
          %lt3A_330 = arith.cmpi slt, %rem3A_326, %lt3A_329 : i32
          %lt3A_331 = arith.constant 0 : i32
          %lt3A_332 = arith.cmpi slt, %select_n3A_325, %lt3A_331 : i32
          %ne3A_333 = arith.xori %lt3A_330, %lt3A_332 : i1
          %and3A_334 = arith.andi %ne3A_333, %ne3A_328 : i1
          %add3A_335 = arith.addi %rem3A_326, %select_n3A_325 : i32
          %select_n3A_336 = arith.select %and3A_334, %add3A_335, %rem3A_326 : i32
          %dma_start3A_337 = arith.constant 0 : i32
          %dma_start3A_338 = arith.constant 0 : i32
          %dma_start3A_339 = tpu.memref_slice %arg9[%select_n3A_336, %dma_start3A_337, %dma_start3A_338] : memref<5x125x32xf32, #tpu.memory_space<vmem>> -> memref<1x125x32xf32, #tpu.memory_space<vmem>>
          %dma_start3A_340 = tpu.memref_squeeze %dma_start3A_339 : memref<1x125x32xf32, #tpu.memory_space<vmem>> -> memref<125x32xf32, #tpu.memory_space<vmem>>
          %dma_start3A_341 = arith.constant 0 : i32
          %dma_start3A_342 = arith.constant 0 : i32
          %dma_start3A_343 = tpu.memref_slice %arg7[%select_n3A_304, %dma_start3A_341, %dma_start3A_342] : memref<2x16x125xi32, #tpu.memory_space<vmem>> -> memref<1x16x125xi32, #tpu.memory_space<vmem>>
          %dma_start3A_344 = tpu.memref_squeeze %dma_start3A_343 : memref<1x16x125xi32, #tpu.memory_space<vmem>> -> memref<16x125xi32, #tpu.memory_space<vmem>>
          %dma_start3A_345 = arith.constant 0 : i32
          %dma_start3A_346 = tpu.memref_slice %dma_start3A_344[%select_n3A_320, %dma_start3A_345] : memref<16x125xi32, #tpu.memory_space<vmem>> -> memref<1x125xi32, #tpu.memory_space<vmem>>
          %dma_start3A_347 = tpu.memref_squeeze %dma_start3A_346 : memref<1x125xi32, #tpu.memory_space<vmem>> -> memref<125xi32, #tpu.memory_space<vmem>>
          %dma_start3A_348 = arith.constant 0 : i32
          %dma_start3A_349 = arith.constant 0 : i32
          %dma_start3A_350 = tpu.memref_slice %arg2[%scan3A, %dma_start3A_348, %dma_start3A_349] : memref<2x50176x32xf32, #tpu.memory_space<hbm>> -> memref<1x50176x32xf32, #tpu.memory_space<hbm>>
          %dma_start3A_351 = tpu.memref_squeeze %dma_start3A_350 : memref<1x50176x32xf32, #tpu.memory_space<hbm>> -> memref<50176x32xf32, #tpu.memory_space<hbm>>
          %dma_start3A_352 = arith.constant 0 : i32
          %dma_start3A_353 = arith.constant 0 : i32
          %dma_start3A_354 = tpu.memref_slice %dma_start3A_351[%dma_start3A_352, %dma_start3A_353] : memref<50176x32xf32, #tpu.memory_space<hbm>> -> memref<50176x32xf32, #tpu.memory_space<hbm>>
          tpu.enqueue_indirect_dma source(%dma_start3A_354 : memref<50176x32xf32, #tpu.memory_space<hbm>>) target(%dma_start3A_340 : memref<125x32xf32, #tpu.memory_space<vmem>>) offsets(%dma_start3A_347 : memref<125xi32, #tpu.memory_space<vmem>>) semaphore(%arg11 : memref<!tpu.dma_semaphore, #tpu.memory_space<semaphore_mem>>)
        } else {
        }
        %scan3A_262 = arith.constant 0 : i32
        scf.yield %scan3A_262 : i32
      }
      %scan3A_100 = arith.constant 400 : i32
      %dma_wait3A_101 = arith.constant 0 : i32
      %dma_wait3A_102 = arith.constant 0 : i32
      %dma_wait3A_103 = arith.constant 0 : i32
      %dma_wait3A_104 = arith.constant 0 : i32
      %dma_wait3A_105 = arith.constant 0 : i32
      %dma_wait3A_106 = tpu.memref_slice %arg9[%dma_wait3A_101, %dma_wait3A_104, %dma_wait3A_105] : memref<5x125x32xf32, #tpu.memory_space<vmem>> -> memref<1x125x32xf32, #tpu.memory_space<vmem>>
      %dma_wait3A_107 = tpu.memref_squeeze %dma_wait3A_106 : memref<1x125x32xf32, #tpu.memory_space<vmem>> -> memref<125x32xf32, #tpu.memory_space<vmem>>
      %dma_wait3A_108 = arith.constant 0 : i32
      %dma_wait3A_109 = arith.constant 0 : i32
      %dma_wait3A_110 = tpu.memref_slice %arg8[%dma_wait3A_102, %dma_wait3A_108, %dma_wait3A_109] : memref<2x16x125xi32, #tpu.memory_space<vmem>> -> memref<1x16x125xi32, #tpu.memory_space<vmem>>
      %dma_wait3A_111 = tpu.memref_squeeze %dma_wait3A_110 : memref<1x16x125xi32, #tpu.memory_space<vmem>> -> memref<16x125xi32, #tpu.memory_space<vmem>>
      %dma_wait3A_112 = arith.constant 0 : i32
      %dma_wait3A_113 = tpu.memref_slice %dma_wait3A_111[%dma_wait3A_103, %dma_wait3A_112] : memref<16x125xi32, #tpu.memory_space<vmem>> -> memref<1x125xi32, #tpu.memory_space<vmem>>
      %dma_wait3A_114 = tpu.memref_squeeze %dma_wait3A_113 : memref<1x125xi32, #tpu.memory_space<vmem>> -> memref<125xi32, #tpu.memory_space<vmem>>
      %dma_wait3A_115 = arith.constant 0 : i32
      %dma_wait3A_116 = arith.constant 0 : i32
      %dma_wait3A_117 = tpu.memref_slice %arg10[%dma_wait3A_115, %dma_wait3A_116] : memref<50176x32xf32, #tpu.memory_space<vmem_shared>> -> memref<50176x32xf32, #tpu.memory_space<vmem_shared>>
      tpu.wait_indirect_dma semaphore(%arg12 : memref<!tpu.dma_semaphore, #tpu.memory_space<semaphore_mem>>) src(%dma_wait3A_107 : memref<125x32xf32, #tpu.memory_space<vmem>>) dst(%dma_wait3A_117 : memref<50176x32xf32, #tpu.memory_space<vmem_shared>>)
      %dma_wait3A_118 = arith.constant 1 : i32
      %dma_wait3A_119 = arith.constant 0 : i32
      %dma_wait3A_120 = arith.constant 1 : i32
      %dma_wait3A_121 = arith.constant 0 : i32
      %dma_wait3A_122 = arith.constant 0 : i32
      %dma_wait3A_123 = tpu.memref_slice %arg9[%dma_wait3A_118, %dma_wait3A_121, %dma_wait3A_122] : memref<5x125x32xf32, #tpu.memory_space<vmem>> -> memref<1x125x32xf32, #tpu.memory_space<vmem>>
      %dma_wait3A_124 = tpu.memref_squeeze %dma_wait3A_123 : memref<1x125x32xf32, #tpu.memory_space<vmem>> -> memref<125x32xf32, #tpu.memory_space<vmem>>
      %dma_wait3A_125 = arith.constant 0 : i32
      %dma_wait3A_126 = arith.constant 0 : i32
      %dma_wait3A_127 = tpu.memref_slice %arg8[%dma_wait3A_119, %dma_wait3A_125, %dma_wait3A_126] : memref<2x16x125xi32, #tpu.memory_space<vmem>> -> memref<1x16x125xi32, #tpu.memory_space<vmem>>
      %dma_wait3A_128 = tpu.memref_squeeze %dma_wait3A_127 : memref<1x16x125xi32, #tpu.memory_space<vmem>> -> memref<16x125xi32, #tpu.memory_space<vmem>>
      %dma_wait3A_129 = arith.constant 0 : i32
      %dma_wait3A_130 = tpu.memref_slice %dma_wait3A_128[%dma_wait3A_120, %dma_wait3A_129] : memref<16x125xi32, #tpu.memory_space<vmem>> -> memref<1x125xi32, #tpu.memory_space<vmem>>
      %dma_wait3A_131 = tpu.memref_squeeze %dma_wait3A_130 : memref<1x125xi32, #tpu.memory_space<vmem>> -> memref<125xi32, #tpu.memory_space<vmem>>
      %dma_wait3A_132 = arith.constant 0 : i32
      %dma_wait3A_133 = arith.constant 0 : i32
      %dma_wait3A_134 = tpu.memref_slice %arg10[%dma_wait3A_132, %dma_wait3A_133] : memref<50176x32xf32, #tpu.memory_space<vmem_shared>> -> memref<50176x32xf32, #tpu.memory_space<vmem_shared>>
      tpu.wait_indirect_dma semaphore(%arg12 : memref<!tpu.dma_semaphore, #tpu.memory_space<semaphore_mem>>) src(%dma_wait3A_124 : memref<125x32xf32, #tpu.memory_space<vmem>>) dst(%dma_wait3A_134 : memref<50176x32xf32, #tpu.memory_space<vmem_shared>>)
    } else {
    }
    %eq3A_8 = arith.constant 1 : i32
    %eq3A_9 = arith.cmpi eq, %arg0, %eq3A_8 : i32
    %convert_element_type3A_10 = arith.extui %eq3A_9 : i1 to i32
    %cond3A_11 = arith.constant 0 : i32
    %cond3A_12 = arith.cmpi ne, %convert_element_type3A_10, %cond3A_11 : i32
    scf.if %cond3A_12 {
      %run_scoped3A = arith.constant 0 : i32
      "tpu.region"() ({
        %run_scoped3A_135 = tpu.sem_alloc : memref<!tpu.dma_semaphore, #tpu.memory_space<semaphore_mem>>
        %dma_start3A_136 = arith.constant 0 : i32
        %dma_start3A_137 = arith.constant 0 : i32
        %dma_start3A_138 = tpu.memref_slice %arg7[%run_scoped3A, %dma_start3A_136, %dma_start3A_137] : memref<2x16x125xi32, #tpu.memory_space<vmem>> -> memref<1x16x125xi32, #tpu.memory_space<vmem>>
        %dma_start3A_139 = tpu.memref_squeeze %dma_start3A_138 : memref<1x16x125xi32, #tpu.memory_space<vmem>> -> memref<16x125xi32, #tpu.memory_space<vmem>>
        %dma_start3A_140 = arith.constant 0 : i32
        %dma_start3A_141 = tpu.memref_slice %arg3[%mul3A_2, %dma_start3A_140] : memref<6400x125xi32, #tpu.memory_space<hbm>> -> memref<16x125xi32, #tpu.memory_space<hbm>>
        %dma_start3A_142 = arith.constant 0 : i32
        %dma_start3A_143 = arith.constant 0 : i32
        %dma_start3A_144 = tpu.memref_slice %arg7[%run_scoped3A, %dma_start3A_142, %dma_start3A_143] : memref<2x16x125xi32, #tpu.memory_space<vmem>> -> memref<1x16x125xi32, #tpu.memory_space<vmem>>
        %dma_start3A_145 = tpu.memref_squeeze %dma_start3A_144 : memref<1x16x125xi32, #tpu.memory_space<vmem>> -> memref<16x125xi32, #tpu.memory_space<vmem>>
        %dma_start3A_146 = arith.constant 0 : i32
        %dma_start3A_147 = tpu.memref_slice %arg3[%mul3A_2, %dma_start3A_146] : memref<6400x125xi32, #tpu.memory_space<hbm>> -> memref<16x125xi32, #tpu.memory_space<hbm>>
        tpu.enqueue_dma source(%dma_start3A_147 : memref<16x125xi32, #tpu.memory_space<hbm>>) target(%dma_start3A_145 : memref<16x125xi32, #tpu.memory_space<vmem>>) target_semaphore(%run_scoped3A_135 : memref<!tpu.dma_semaphore, #tpu.memory_space<semaphore_mem>>)
        %dma_wait3A_148 = arith.constant 0 : i32
        %dma_wait3A_149 = arith.constant 0 : i32
        %dma_wait3A_150 = tpu.memref_slice %arg7[%run_scoped3A, %dma_wait3A_148, %dma_wait3A_149] : memref<2x16x125xi32, #tpu.memory_space<vmem>> -> memref<1x16x125xi32, #tpu.memory_space<vmem>>
        %dma_wait3A_151 = tpu.memref_squeeze %dma_wait3A_150 : memref<1x16x125xi32, #tpu.memory_space<vmem>> -> memref<16x125xi32, #tpu.memory_space<vmem>>
        %dma_wait3A_152 = arith.constant 0 : i32
        %dma_wait3A_153 = tpu.memref_slice %arg3[%mul3A_2, %dma_wait3A_152] : memref<6400x125xi32, #tpu.memory_space<hbm>> -> memref<16x125xi32, #tpu.memory_space<hbm>>
        %dma_wait3A_154 = arith.constant 0 : i32
        %dma_wait3A_155 = arith.constant 0 : i32
        %dma_wait3A_156 = tpu.memref_slice %arg7[%run_scoped3A, %dma_wait3A_154, %dma_wait3A_155] : memref<2x16x125xi32, #tpu.memory_space<vmem>> -> memref<1x16x125xi32, #tpu.memory_space<vmem>>
        %dma_wait3A_157 = tpu.memref_squeeze %dma_wait3A_156 : memref<1x16x125xi32, #tpu.memory_space<vmem>> -> memref<16x125xi32, #tpu.memory_space<vmem>>
        %dma_wait3A_158 = arith.constant 0 : i32
        %dma_wait3A_159 = tpu.memref_slice %arg3[%mul3A_2, %dma_wait3A_158] : memref<6400x125xi32, #tpu.memory_space<hbm>> -> memref<16x125xi32, #tpu.memory_space<hbm>>
        tpu.wait_dma2 semaphore(%run_scoped3A_135 : memref<!tpu.dma_semaphore, #tpu.memory_space<semaphore_mem>>) src(%dma_wait3A_159 : memref<16x125xi32, #tpu.memory_space<hbm>>) dst(%dma_wait3A_157 : memref<16x125xi32, #tpu.memory_space<vmem>>)
        tpu.yield
      }) : () -> ()
      %run_scoped3A_23 = arith.constant 0 : i32
      "tpu.region"() ({
        %run_scoped3A_135 = tpu.sem_alloc : memref<!tpu.dma_semaphore, #tpu.memory_space<semaphore_mem>>
        %dma_start3A_136 = arith.constant 0 : i32
        %dma_start3A_137 = arith.constant 0 : i32
        %dma_start3A_138 = tpu.memref_slice %arg8[%run_scoped3A_23, %dma_start3A_136, %dma_start3A_137] : memref<2x16x125xi32, #tpu.memory_space<vmem>> -> memref<1x16x125xi32, #tpu.memory_space<vmem>>
        %dma_start3A_139 = tpu.memref_squeeze %dma_start3A_138 : memref<1x16x125xi32, #tpu.memory_space<vmem>> -> memref<16x125xi32, #tpu.memory_space<vmem>>
        %dma_start3A_140 = arith.constant 0 : i32
        %dma_start3A_141 = tpu.memref_slice %arg4[%mul3A_2, %dma_start3A_140] : memref<6400x125xi32, #tpu.memory_space<hbm>> -> memref<16x125xi32, #tpu.memory_space<hbm>>
        %dma_start3A_142 = arith.constant 0 : i32
        %dma_start3A_143 = arith.constant 0 : i32
        %dma_start3A_144 = tpu.memref_slice %arg8[%run_scoped3A_23, %dma_start3A_142, %dma_start3A_143] : memref<2x16x125xi32, #tpu.memory_space<vmem>> -> memref<1x16x125xi32, #tpu.memory_space<vmem>>
        %dma_start3A_145 = tpu.memref_squeeze %dma_start3A_144 : memref<1x16x125xi32, #tpu.memory_space<vmem>> -> memref<16x125xi32, #tpu.memory_space<vmem>>
        %dma_start3A_146 = arith.constant 0 : i32
        %dma_start3A_147 = tpu.memref_slice %arg4[%mul3A_2, %dma_start3A_146] : memref<6400x125xi32, #tpu.memory_space<hbm>> -> memref<16x125xi32, #tpu.memory_space<hbm>>
        tpu.enqueue_dma source(%dma_start3A_147 : memref<16x125xi32, #tpu.memory_space<hbm>>) target(%dma_start3A_145 : memref<16x125xi32, #tpu.memory_space<vmem>>) target_semaphore(%run_scoped3A_135 : memref<!tpu.dma_semaphore, #tpu.memory_space<semaphore_mem>>)
        %dma_wait3A_148 = arith.constant 0 : i32
        %dma_wait3A_149 = arith.constant 0 : i32
        %dma_wait3A_150 = tpu.memref_slice %arg8[%run_scoped3A_23, %dma_wait3A_148, %dma_wait3A_149] : memref<2x16x125xi32, #tpu.memory_space<vmem>> -> memref<1x16x125xi32, #tpu.memory_space<vmem>>
        %dma_wait3A_151 = tpu.memref_squeeze %dma_wait3A_150 : memref<1x16x125xi32, #tpu.memory_space<vmem>> -> memref<16x125xi32, #tpu.memory_space<vmem>>
        %dma_wait3A_152 = arith.constant 0 : i32
        %dma_wait3A_153 = tpu.memref_slice %arg4[%mul3A_2, %dma_wait3A_152] : memref<6400x125xi32, #tpu.memory_space<hbm>> -> memref<16x125xi32, #tpu.memory_space<hbm>>
        %dma_wait3A_154 = arith.constant 0 : i32
        %dma_wait3A_155 = arith.constant 0 : i32
        %dma_wait3A_156 = tpu.memref_slice %arg8[%run_scoped3A_23, %dma_wait3A_154, %dma_wait3A_155] : memref<2x16x125xi32, #tpu.memory_space<vmem>> -> memref<1x16x125xi32, #tpu.memory_space<vmem>>
        %dma_wait3A_157 = tpu.memref_squeeze %dma_wait3A_156 : memref<1x16x125xi32, #tpu.memory_space<vmem>> -> memref<16x125xi32, #tpu.memory_space<vmem>>
        %dma_wait3A_158 = arith.constant 0 : i32
        %dma_wait3A_159 = tpu.memref_slice %arg4[%mul3A_2, %dma_wait3A_158] : memref<6400x125xi32, #tpu.memory_space<hbm>> -> memref<16x125xi32, #tpu.memory_space<hbm>>
        tpu.wait_dma2 semaphore(%run_scoped3A_135 : memref<!tpu.dma_semaphore, #tpu.memory_space<semaphore_mem>>) src(%dma_wait3A_159 : memref<16x125xi32, #tpu.memory_space<hbm>>) dst(%dma_wait3A_157 : memref<16x125xi32, #tpu.memory_space<vmem>>)
        tpu.yield
      }) : () -> ()
      %dma_start3A_24 = arith.constant 1 : i32
      %dma_start3A_25 = arith.constant 0 : i32
      %dma_start3A_26 = arith.constant 0 : i32
      %dma_start3A_27 = arith.constant 0 : i32
      %dma_start3A_28 = arith.constant 0 : i32
      %dma_start3A_29 = arith.constant 0 : i32
      %dma_start3A_30 = tpu.memref_slice %arg9[%dma_start3A_27, %dma_start3A_28, %dma_start3A_29] : memref<5x125x32xf32, #tpu.memory_space<vmem>> -> memref<1x125x32xf32, #tpu.memory_space<vmem>>
      %dma_start3A_31 = tpu.memref_squeeze %dma_start3A_30 : memref<1x125x32xf32, #tpu.memory_space<vmem>> -> memref<125x32xf32, #tpu.memory_space<vmem>>
      %dma_start3A_32 = arith.constant 0 : i32
      %dma_start3A_33 = arith.constant 0 : i32
      %dma_start3A_34 = tpu.memref_slice %arg7[%dma_start3A_25, %dma_start3A_32, %dma_start3A_33] : memref<2x16x125xi32, #tpu.memory_space<vmem>> -> memref<1x16x125xi32, #tpu.memory_space<vmem>>
      %dma_start3A_35 = tpu.memref_squeeze %dma_start3A_34 : memref<1x16x125xi32, #tpu.memory_space<vmem>> -> memref<16x125xi32, #tpu.memory_space<vmem>>
      %dma_start3A_36 = arith.constant 0 : i32
      %dma_start3A_37 = tpu.memref_slice %dma_start3A_35[%dma_start3A_26, %dma_start3A_36] : memref<16x125xi32, #tpu.memory_space<vmem>> -> memref<1x125xi32, #tpu.memory_space<vmem>>
      %dma_start3A_38 = tpu.memref_squeeze %dma_start3A_37 : memref<1x125xi32, #tpu.memory_space<vmem>> -> memref<125xi32, #tpu.memory_space<vmem>>
      %dma_start3A_39 = arith.constant 0 : i32
      %dma_start3A_40 = arith.constant 0 : i32
      %dma_start3A_41 = tpu.memref_slice %arg2[%dma_start3A_24, %dma_start3A_39, %dma_start3A_40] : memref<2x50176x32xf32, #tpu.memory_space<hbm>> -> memref<1x50176x32xf32, #tpu.memory_space<hbm>>
      %dma_start3A_42 = tpu.memref_squeeze %dma_start3A_41 : memref<1x50176x32xf32, #tpu.memory_space<hbm>> -> memref<50176x32xf32, #tpu.memory_space<hbm>>
      %dma_start3A_43 = arith.constant 0 : i32
      %dma_start3A_44 = arith.constant 0 : i32
      %dma_start3A_45 = tpu.memref_slice %dma_start3A_42[%dma_start3A_43, %dma_start3A_44] : memref<50176x32xf32, #tpu.memory_space<hbm>> -> memref<50176x32xf32, #tpu.memory_space<hbm>>
      tpu.enqueue_indirect_dma source(%dma_start3A_45 : memref<50176x32xf32, #tpu.memory_space<hbm>>) target(%dma_start3A_31 : memref<125x32xf32, #tpu.memory_space<vmem>>) offsets(%dma_start3A_38 : memref<125xi32, #tpu.memory_space<vmem>>) semaphore(%arg11 : memref<!tpu.dma_semaphore, #tpu.memory_space<semaphore_mem>>)
      %dma_start3A_46 = arith.constant 1 : i32
      %dma_start3A_47 = arith.constant 0 : i32
      %dma_start3A_48 = arith.constant 1 : i32
      %dma_start3A_49 = arith.constant 1 : i32
      %dma_start3A_50 = arith.constant 0 : i32
      %dma_start3A_51 = arith.constant 0 : i32
      %dma_start3A_52 = tpu.memref_slice %arg9[%dma_start3A_49, %dma_start3A_50, %dma_start3A_51] : memref<5x125x32xf32, #tpu.memory_space<vmem>> -> memref<1x125x32xf32, #tpu.memory_space<vmem>>
      %dma_start3A_53 = tpu.memref_squeeze %dma_start3A_52 : memref<1x125x32xf32, #tpu.memory_space<vmem>> -> memref<125x32xf32, #tpu.memory_space<vmem>>
      %dma_start3A_54 = arith.constant 0 : i32
      %dma_start3A_55 = arith.constant 0 : i32
      %dma_start3A_56 = tpu.memref_slice %arg7[%dma_start3A_47, %dma_start3A_54, %dma_start3A_55] : memref<2x16x125xi32, #tpu.memory_space<vmem>> -> memref<1x16x125xi32, #tpu.memory_space<vmem>>
      %dma_start3A_57 = tpu.memref_squeeze %dma_start3A_56 : memref<1x16x125xi32, #tpu.memory_space<vmem>> -> memref<16x125xi32, #tpu.memory_space<vmem>>
      %dma_start3A_58 = arith.constant 0 : i32
      %dma_start3A_59 = tpu.memref_slice %dma_start3A_57[%dma_start3A_48, %dma_start3A_58] : memref<16x125xi32, #tpu.memory_space<vmem>> -> memref<1x125xi32, #tpu.memory_space<vmem>>
      %dma_start3A_60 = tpu.memref_squeeze %dma_start3A_59 : memref<1x125xi32, #tpu.memory_space<vmem>> -> memref<125xi32, #tpu.memory_space<vmem>>
      %dma_start3A_61 = arith.constant 0 : i32
      %dma_start3A_62 = arith.constant 0 : i32
      %dma_start3A_63 = tpu.memref_slice %arg2[%dma_start3A_46, %dma_start3A_61, %dma_start3A_62] : memref<2x50176x32xf32, #tpu.memory_space<hbm>> -> memref<1x50176x32xf32, #tpu.memory_space<hbm>>
      %dma_start3A_64 = tpu.memref_squeeze %dma_start3A_63 : memref<1x50176x32xf32, #tpu.memory_space<hbm>> -> memref<50176x32xf32, #tpu.memory_space<hbm>>
      %dma_start3A_65 = arith.constant 0 : i32
      %dma_start3A_66 = arith.constant 0 : i32
      %dma_start3A_67 = tpu.memref_slice %dma_start3A_64[%dma_start3A_65, %dma_start3A_66] : memref<50176x32xf32, #tpu.memory_space<hbm>> -> memref<50176x32xf32, #tpu.memory_space<hbm>>
      tpu.enqueue_indirect_dma source(%dma_start3A_67 : memref<50176x32xf32, #tpu.memory_space<hbm>>) target(%dma_start3A_53 : memref<125x32xf32, #tpu.memory_space<vmem>>) offsets(%dma_start3A_60 : memref<125xi32, #tpu.memory_space<vmem>>) semaphore(%arg11 : memref<!tpu.dma_semaphore, #tpu.memory_space<semaphore_mem>>)
      %dma_start3A_68 = arith.constant 1 : i32
      %dma_start3A_69 = arith.constant 0 : i32
      %dma_start3A_70 = arith.constant 2 : i32
      %dma_start3A_71 = arith.constant 2 : i32
      %dma_start3A_72 = arith.constant 0 : i32
      %dma_start3A_73 = arith.constant 0 : i32
      %dma_start3A_74 = tpu.memref_slice %arg9[%dma_start3A_71, %dma_start3A_72, %dma_start3A_73] : memref<5x125x32xf32, #tpu.memory_space<vmem>> -> memref<1x125x32xf32, #tpu.memory_space<vmem>>
      %dma_start3A_75 = tpu.memref_squeeze %dma_start3A_74 : memref<1x125x32xf32, #tpu.memory_space<vmem>> -> memref<125x32xf32, #tpu.memory_space<vmem>>
      %dma_start3A_76 = arith.constant 0 : i32
      %dma_start3A_77 = arith.constant 0 : i32
      %dma_start3A_78 = tpu.memref_slice %arg7[%dma_start3A_69, %dma_start3A_76, %dma_start3A_77] : memref<2x16x125xi32, #tpu.memory_space<vmem>> -> memref<1x16x125xi32, #tpu.memory_space<vmem>>
      %dma_start3A_79 = tpu.memref_squeeze %dma_start3A_78 : memref<1x16x125xi32, #tpu.memory_space<vmem>> -> memref<16x125xi32, #tpu.memory_space<vmem>>
      %dma_start3A_80 = arith.constant 0 : i32
      %dma_start3A_81 = tpu.memref_slice %dma_start3A_79[%dma_start3A_70, %dma_start3A_80] : memref<16x125xi32, #tpu.memory_space<vmem>> -> memref<1x125xi32, #tpu.memory_space<vmem>>
      %dma_start3A_82 = tpu.memref_squeeze %dma_start3A_81 : memref<1x125xi32, #tpu.memory_space<vmem>> -> memref<125xi32, #tpu.memory_space<vmem>>
      %dma_start3A_83 = arith.constant 0 : i32
      %dma_start3A_84 = arith.constant 0 : i32
      %dma_start3A_85 = tpu.memref_slice %arg2[%dma_start3A_68, %dma_start3A_83, %dma_start3A_84] : memref<2x50176x32xf32, #tpu.memory_space<hbm>> -> memref<1x50176x32xf32, #tpu.memory_space<hbm>>
      %dma_start3A_86 = tpu.memref_squeeze %dma_start3A_85 : memref<1x50176x32xf32, #tpu.memory_space<hbm>> -> memref<50176x32xf32, #tpu.memory_space<hbm>>
      %dma_start3A_87 = arith.constant 0 : i32
      %dma_start3A_88 = arith.constant 0 : i32
      %dma_start3A_89 = tpu.memref_slice %dma_start3A_86[%dma_start3A_87, %dma_start3A_88] : memref<50176x32xf32, #tpu.memory_space<hbm>> -> memref<50176x32xf32, #tpu.memory_space<hbm>>
      tpu.enqueue_indirect_dma source(%dma_start3A_89 : memref<50176x32xf32, #tpu.memory_space<hbm>>) target(%dma_start3A_75 : memref<125x32xf32, #tpu.memory_space<vmem>>) offsets(%dma_start3A_82 : memref<125xi32, #tpu.memory_space<vmem>>) semaphore(%arg11 : memref<!tpu.dma_semaphore, #tpu.memory_space<semaphore_mem>>)
      %dma_wait3A = arith.constant 0 : i32
      %dma_wait3A_90 = tpu.memref_slice %arg10[%mul3A_0, %dma_wait3A] : memref<50176x32xf32, #tpu.memory_space<vmem_shared>> -> memref<3136x32xf32, #tpu.memory_space<vmem_shared>>
      %dma_wait3A_91 = arith.constant 0 : i32
      %dma_wait3A_92 = tpu.memref_slice %arg5[%mul3A_0, %dma_wait3A_91] : memref<50176x32xf32, #tpu.memory_space<hbm>> -> memref<3136x32xf32, #tpu.memory_space<hbm>>
      tpu.wait_dma2 semaphore(%arg14 : memref<!tpu.dma_semaphore, #tpu.memory_space<semaphore_mem>>) src(%dma_wait3A_92 : memref<3136x32xf32, #tpu.memory_space<hbm>>) dst(%dma_wait3A_90 : memref<3136x32xf32, #tpu.memory_space<vmem_shared>>)
      %barrier3A_93 = arith.constant 0 : index
      tpu.barrier barrier_id(%barrier3A_93)
      %scan3A = arith.constant 1 : i32
      %scan3A_94 = arith.constant 0 : i32
      %scan3A_95 = arith.constant 0 : i32
      %scan3A_96 = arith.constant 400 : i32
      %scan3A_97 = arith.addi %scan3A_95, %scan3A_96 : i32
      %scan3A_98 = arith.constant 1 : i32
      %scan3A_99 = scf.for %scan3A_135 = %scan3A_95 to %scan3A_97 step %scan3A_98 iter_args(%scan3A_136 = %scan3A_94) -> (i32)  : i32 {
        %jit3A = arith.constant 16 : i32
        %div3A = arith.divsi %scan3A_135, %jit3A : i32
        %sign3A = arith.constant 0 : i32
        %sign3A_137 = arith.cmpi sgt, %scan3A_135, %sign3A : i32
        %sign3A_138 = arith.extui %sign3A_137 : i1 to i32
        %sign3A_139 = arith.constant 0 : i32
        %sign3A_140 = arith.cmpi slt, %scan3A_135, %sign3A_139 : i32
        %sign3A_141 = arith.extui %sign3A_140 : i1 to i32
        %sign3A_142 = arith.subi %sign3A_138, %sign3A_141 : i32
        %sign3A_143 = arith.constant 0 : i32
        %sign3A_144 = arith.cmpi sgt, %jit3A, %sign3A_143 : i32
        %sign3A_145 = arith.extui %sign3A_144 : i1 to i32
        %sign3A_146 = arith.constant 0 : i32
        %sign3A_147 = arith.cmpi slt, %jit3A, %sign3A_146 : i32
        %sign3A_148 = arith.extui %sign3A_147 : i1 to i32
        %sign3A_149 = arith.subi %sign3A_145, %sign3A_148 : i32
        %ne3A = arith.cmpi ne, %sign3A_142, %sign3A_149 : i32
        %rem3A = arith.remsi %scan3A_135, %jit3A : i32
        %ne3A_150 = arith.constant 0 : i32
        %ne3A_151 = arith.cmpi ne, %rem3A, %ne3A_150 : i32
        %and3A = arith.andi %ne3A, %ne3A_151 : i1
        %sub3A = arith.constant 1 : i32
        %sub3A_152 = arith.subi %div3A, %sub3A : i32
        %select_n3A = arith.select %and3A, %sub3A_152, %div3A : i32
        %jit3A_153 = arith.constant 16 : i32
        %eq3A_154 = arith.constant 0 : i32
        %eq3A_155 = arith.cmpi eq, %jit3A_153, %eq3A_154 : i32
        %jit3A_156 = arith.constant 1 : i32
        %select_n3A_157 = arith.select %eq3A_155, %jit3A_156, %jit3A_153 : i32
        %rem3A_158 = arith.remsi %scan3A_135, %select_n3A_157 : i32
        %ne3A_159 = arith.constant 0 : i32
        %ne3A_160 = arith.cmpi ne, %rem3A_158, %ne3A_159 : i32
        %lt3A = arith.constant 0 : i32
        %lt3A_161 = arith.cmpi slt, %rem3A_158, %lt3A : i32
        %lt3A_162 = arith.constant 0 : i32
        %lt3A_163 = arith.cmpi slt, %select_n3A_157, %lt3A_162 : i32
        %ne3A_164 = arith.xori %lt3A_161, %lt3A_163 : i1
        %and3A_165 = arith.andi %ne3A_164, %ne3A_160 : i1
        %add3A = arith.addi %rem3A_158, %select_n3A_157 : i32
        %select_n3A_166 = arith.select %and3A_165, %add3A, %rem3A_158 : i32
        %jit3A_167 = arith.constant 2 : i32
        %eq3A_168 = arith.constant 0 : i32
        %eq3A_169 = arith.cmpi eq, %jit3A_167, %eq3A_168 : i32
        %jit3A_170 = arith.constant 1 : i32
        %select_n3A_171 = arith.select %eq3A_169, %jit3A_170, %jit3A_167 : i32
        %rem3A_172 = arith.remsi %select_n3A, %select_n3A_171 : i32
        %ne3A_173 = arith.constant 0 : i32
        %ne3A_174 = arith.cmpi ne, %rem3A_172, %ne3A_173 : i32
        %lt3A_175 = arith.constant 0 : i32
        %lt3A_176 = arith.cmpi slt, %rem3A_172, %lt3A_175 : i32
        %lt3A_177 = arith.constant 0 : i32
        %lt3A_178 = arith.cmpi slt, %select_n3A_171, %lt3A_177 : i32
        %ne3A_179 = arith.xori %lt3A_176, %lt3A_178 : i1
        %and3A_180 = arith.andi %ne3A_179, %ne3A_174 : i1
        %add3A_181 = arith.addi %rem3A_172, %select_n3A_171 : i32
        %select_n3A_182 = arith.select %and3A_180, %add3A_181, %rem3A_172 : i32
        %eq3A_183 = arith.constant 0 : i32
        %eq3A_184 = arith.cmpi eq, %select_n3A_166, %eq3A_183 : i32
        %add3A_185 = arith.constant 1 : i32
        %add3A_186 = arith.addi %select_n3A, %add3A_185 : i32
        %lt3A_187 = arith.constant 25 : i32
        %lt3A_188 = arith.cmpi slt, %add3A_186, %lt3A_187 : i32
        %and3A_189 = arith.andi %eq3A_184, %lt3A_188 : i1
        %convert_element_type3A_190 = arith.extui %and3A_189 : i1 to i32
        %cond3A_191 = arith.constant 0 : i32
        %cond3A_192 = arith.cmpi ne, %convert_element_type3A_190, %cond3A_191 : i32
        scf.if %cond3A_192 {
          %add3A_263 = arith.constant 1 : i32
          %add3A_264 = arith.addi %select_n3A, %add3A_263 : i32
          %mul3A_265 = arith.constant 16 : i32
          %mul3A_266 = arith.muli %add3A_264, %mul3A_265 : i32
          %add3A_267 = arith.addi %mul3A_2, %mul3A_266 : i32
          %sub3A_268 = arith.constant 1 : i32
          %sub3A_269 = arith.subi %sub3A_268, %select_n3A_182 : i32
          %dma_start3A_270 = arith.constant 0 : i32
          %dma_start3A_271 = arith.constant 0 : i32
          %dma_start3A_272 = tpu.memref_slice %arg7[%sub3A_269, %dma_start3A_270, %dma_start3A_271] : memref<2x16x125xi32, #tpu.memory_space<vmem>> -> memref<1x16x125xi32, #tpu.memory_space<vmem>>
          %dma_start3A_273 = tpu.memref_squeeze %dma_start3A_272 : memref<1x16x125xi32, #tpu.memory_space<vmem>> -> memref<16x125xi32, #tpu.memory_space<vmem>>
          %dma_start3A_274 = arith.constant 0 : i32
          %dma_start3A_275 = tpu.memref_slice %arg3[%add3A_267, %dma_start3A_274] : memref<6400x125xi32, #tpu.memory_space<hbm>> -> memref<16x125xi32, #tpu.memory_space<hbm>>
          %dma_start3A_276 = arith.constant 0 : i32
          %dma_start3A_277 = arith.constant 0 : i32
          %dma_start3A_278 = tpu.memref_slice %arg7[%sub3A_269, %dma_start3A_276, %dma_start3A_277] : memref<2x16x125xi32, #tpu.memory_space<vmem>> -> memref<1x16x125xi32, #tpu.memory_space<vmem>>
          %dma_start3A_279 = tpu.memref_squeeze %dma_start3A_278 : memref<1x16x125xi32, #tpu.memory_space<vmem>> -> memref<16x125xi32, #tpu.memory_space<vmem>>
          %dma_start3A_280 = arith.constant 0 : i32
          %dma_start3A_281 = tpu.memref_slice %arg3[%add3A_267, %dma_start3A_280] : memref<6400x125xi32, #tpu.memory_space<hbm>> -> memref<16x125xi32, #tpu.memory_space<hbm>>
          tpu.enqueue_dma source(%dma_start3A_281 : memref<16x125xi32, #tpu.memory_space<hbm>>) target(%dma_start3A_279 : memref<16x125xi32, #tpu.memory_space<vmem>>) target_semaphore(%arg13 : memref<!tpu.dma_semaphore, #tpu.memory_space<semaphore_mem>>)
          %sub3A_282 = arith.constant 1 : i32
          %sub3A_283 = arith.subi %sub3A_282, %select_n3A_182 : i32
          %dma_start3A_284 = arith.constant 0 : i32
          %dma_start3A_285 = arith.constant 0 : i32
          %dma_start3A_286 = tpu.memref_slice %arg8[%sub3A_283, %dma_start3A_284, %dma_start3A_285] : memref<2x16x125xi32, #tpu.memory_space<vmem>> -> memref<1x16x125xi32, #tpu.memory_space<vmem>>
          %dma_start3A_287 = tpu.memref_squeeze %dma_start3A_286 : memref<1x16x125xi32, #tpu.memory_space<vmem>> -> memref<16x125xi32, #tpu.memory_space<vmem>>
          %dma_start3A_288 = arith.constant 0 : i32
          %dma_start3A_289 = tpu.memref_slice %arg4[%add3A_267, %dma_start3A_288] : memref<6400x125xi32, #tpu.memory_space<hbm>> -> memref<16x125xi32, #tpu.memory_space<hbm>>
          %dma_start3A_290 = arith.constant 0 : i32
          %dma_start3A_291 = arith.constant 0 : i32
          %dma_start3A_292 = tpu.memref_slice %arg8[%sub3A_283, %dma_start3A_290, %dma_start3A_291] : memref<2x16x125xi32, #tpu.memory_space<vmem>> -> memref<1x16x125xi32, #tpu.memory_space<vmem>>
          %dma_start3A_293 = tpu.memref_squeeze %dma_start3A_292 : memref<1x16x125xi32, #tpu.memory_space<vmem>> -> memref<16x125xi32, #tpu.memory_space<vmem>>
          %dma_start3A_294 = arith.constant 0 : i32
          %dma_start3A_295 = tpu.memref_slice %arg4[%add3A_267, %dma_start3A_294] : memref<6400x125xi32, #tpu.memory_space<hbm>> -> memref<16x125xi32, #tpu.memory_space<hbm>>
          tpu.enqueue_dma source(%dma_start3A_295 : memref<16x125xi32, #tpu.memory_space<hbm>>) target(%dma_start3A_293 : memref<16x125xi32, #tpu.memory_space<vmem>>) target_semaphore(%arg13 : memref<!tpu.dma_semaphore, #tpu.memory_space<semaphore_mem>>)
        } else {
        }
        %eq3A_193 = arith.constant 8 : i32
        %eq3A_194 = arith.cmpi eq, %select_n3A_166, %eq3A_193 : i32
        %add3A_195 = arith.constant 1 : i32
        %add3A_196 = arith.addi %select_n3A, %add3A_195 : i32
        %lt3A_197 = arith.constant 25 : i32
        %lt3A_198 = arith.cmpi slt, %add3A_196, %lt3A_197 : i32
        %and3A_199 = arith.andi %eq3A_194, %lt3A_198 : i1
        %convert_element_type3A_200 = arith.extui %and3A_199 : i1 to i32
        %cond3A_201 = arith.constant 0 : i32
        %cond3A_202 = arith.cmpi ne, %convert_element_type3A_200, %cond3A_201 : i32
        scf.if %cond3A_202 {
          %add3A_263 = arith.constant 1 : i32
          %add3A_264 = arith.addi %select_n3A, %add3A_263 : i32
          %mul3A_265 = arith.constant 16 : i32
          %mul3A_266 = arith.muli %add3A_264, %mul3A_265 : i32
          %add3A_267 = arith.addi %mul3A_2, %mul3A_266 : i32
          %sub3A_268 = arith.constant 1 : i32
          %sub3A_269 = arith.subi %sub3A_268, %select_n3A_182 : i32
          %dma_wait3A_270 = arith.constant 0 : i32
          %dma_wait3A_271 = arith.constant 0 : i32
          %dma_wait3A_272 = tpu.memref_slice %arg7[%sub3A_269, %dma_wait3A_270, %dma_wait3A_271] : memref<2x16x125xi32, #tpu.memory_space<vmem>> -> memref<1x16x125xi32, #tpu.memory_space<vmem>>
          %dma_wait3A_273 = tpu.memref_squeeze %dma_wait3A_272 : memref<1x16x125xi32, #tpu.memory_space<vmem>> -> memref<16x125xi32, #tpu.memory_space<vmem>>
          %dma_wait3A_274 = arith.constant 0 : i32
          %dma_wait3A_275 = tpu.memref_slice %arg3[%add3A_267, %dma_wait3A_274] : memref<6400x125xi32, #tpu.memory_space<hbm>> -> memref<16x125xi32, #tpu.memory_space<hbm>>
          %dma_wait3A_276 = arith.constant 0 : i32
          %dma_wait3A_277 = arith.constant 0 : i32
          %dma_wait3A_278 = tpu.memref_slice %arg7[%sub3A_269, %dma_wait3A_276, %dma_wait3A_277] : memref<2x16x125xi32, #tpu.memory_space<vmem>> -> memref<1x16x125xi32, #tpu.memory_space<vmem>>
          %dma_wait3A_279 = tpu.memref_squeeze %dma_wait3A_278 : memref<1x16x125xi32, #tpu.memory_space<vmem>> -> memref<16x125xi32, #tpu.memory_space<vmem>>
          %dma_wait3A_280 = arith.constant 0 : i32
          %dma_wait3A_281 = tpu.memref_slice %arg3[%add3A_267, %dma_wait3A_280] : memref<6400x125xi32, #tpu.memory_space<hbm>> -> memref<16x125xi32, #tpu.memory_space<hbm>>
          tpu.wait_dma2 semaphore(%arg13 : memref<!tpu.dma_semaphore, #tpu.memory_space<semaphore_mem>>) src(%dma_wait3A_281 : memref<16x125xi32, #tpu.memory_space<hbm>>) dst(%dma_wait3A_279 : memref<16x125xi32, #tpu.memory_space<vmem>>)
          %sub3A_282 = arith.constant 1 : i32
          %sub3A_283 = arith.subi %sub3A_282, %select_n3A_182 : i32
          %dma_wait3A_284 = arith.constant 0 : i32
          %dma_wait3A_285 = arith.constant 0 : i32
          %dma_wait3A_286 = tpu.memref_slice %arg8[%sub3A_283, %dma_wait3A_284, %dma_wait3A_285] : memref<2x16x125xi32, #tpu.memory_space<vmem>> -> memref<1x16x125xi32, #tpu.memory_space<vmem>>
          %dma_wait3A_287 = tpu.memref_squeeze %dma_wait3A_286 : memref<1x16x125xi32, #tpu.memory_space<vmem>> -> memref<16x125xi32, #tpu.memory_space<vmem>>
          %dma_wait3A_288 = arith.constant 0 : i32
          %dma_wait3A_289 = tpu.memref_slice %arg4[%add3A_267, %dma_wait3A_288] : memref<6400x125xi32, #tpu.memory_space<hbm>> -> memref<16x125xi32, #tpu.memory_space<hbm>>
          %dma_wait3A_290 = arith.constant 0 : i32
          %dma_wait3A_291 = arith.constant 0 : i32
          %dma_wait3A_292 = tpu.memref_slice %arg8[%sub3A_283, %dma_wait3A_290, %dma_wait3A_291] : memref<2x16x125xi32, #tpu.memory_space<vmem>> -> memref<1x16x125xi32, #tpu.memory_space<vmem>>
          %dma_wait3A_293 = tpu.memref_squeeze %dma_wait3A_292 : memref<1x16x125xi32, #tpu.memory_space<vmem>> -> memref<16x125xi32, #tpu.memory_space<vmem>>
          %dma_wait3A_294 = arith.constant 0 : i32
          %dma_wait3A_295 = tpu.memref_slice %arg4[%add3A_267, %dma_wait3A_294] : memref<6400x125xi32, #tpu.memory_space<hbm>> -> memref<16x125xi32, #tpu.memory_space<hbm>>
          tpu.wait_dma2 semaphore(%arg13 : memref<!tpu.dma_semaphore, #tpu.memory_space<semaphore_mem>>) src(%dma_wait3A_295 : memref<16x125xi32, #tpu.memory_space<hbm>>) dst(%dma_wait3A_293 : memref<16x125xi32, #tpu.memory_space<vmem>>)
        } else {
        }
        %jit3A_203 = arith.constant 5 : i32
        %eq3A_204 = arith.constant 0 : i32
        %eq3A_205 = arith.cmpi eq, %jit3A_203, %eq3A_204 : i32
        %jit3A_206 = arith.constant 1 : i32
        %select_n3A_207 = arith.select %eq3A_205, %jit3A_206, %jit3A_203 : i32
        %rem3A_208 = arith.remsi %scan3A_135, %select_n3A_207 : i32
        %ne3A_209 = arith.constant 0 : i32
        %ne3A_210 = arith.cmpi ne, %rem3A_208, %ne3A_209 : i32
        %lt3A_211 = arith.constant 0 : i32
        %lt3A_212 = arith.cmpi slt, %rem3A_208, %lt3A_211 : i32
        %lt3A_213 = arith.constant 0 : i32
        %lt3A_214 = arith.cmpi slt, %select_n3A_207, %lt3A_213 : i32
        %ne3A_215 = arith.xori %lt3A_212, %lt3A_214 : i1
        %and3A_216 = arith.andi %ne3A_215, %ne3A_210 : i1
        %add3A_217 = arith.addi %rem3A_208, %select_n3A_207 : i32
        %select_n3A_218 = arith.select %and3A_216, %add3A_217, %rem3A_208 : i32
        %dma_wait3A_219 = arith.constant 0 : i32
        %dma_wait3A_220 = arith.constant 0 : i32
        %dma_wait3A_221 = tpu.memref_slice %arg9[%select_n3A_218, %dma_wait3A_219, %dma_wait3A_220] : memref<5x125x32xf32, #tpu.memory_space<vmem>> -> memref<1x125x32xf32, #tpu.memory_space<vmem>>
        %dma_wait3A_222 = tpu.memref_squeeze %dma_wait3A_221 : memref<1x125x32xf32, #tpu.memory_space<vmem>> -> memref<125x32xf32, #tpu.memory_space<vmem>>
        %dma_wait3A_223 = arith.constant 0 : i32
        %dma_wait3A_224 = arith.constant 0 : i32
        %dma_wait3A_225 = tpu.memref_slice %arg7[%select_n3A_182, %dma_wait3A_223, %dma_wait3A_224] : memref<2x16x125xi32, #tpu.memory_space<vmem>> -> memref<1x16x125xi32, #tpu.memory_space<vmem>>
        %dma_wait3A_226 = tpu.memref_squeeze %dma_wait3A_225 : memref<1x16x125xi32, #tpu.memory_space<vmem>> -> memref<16x125xi32, #tpu.memory_space<vmem>>
        %dma_wait3A_227 = arith.constant 0 : i32
        %dma_wait3A_228 = tpu.memref_slice %dma_wait3A_226[%select_n3A_166, %dma_wait3A_227] : memref<16x125xi32, #tpu.memory_space<vmem>> -> memref<1x125xi32, #tpu.memory_space<vmem>>
        %dma_wait3A_229 = tpu.memref_squeeze %dma_wait3A_228 : memref<1x125xi32, #tpu.memory_space<vmem>> -> memref<125xi32, #tpu.memory_space<vmem>>
        %dma_wait3A_230 = arith.constant 0 : i32
        %dma_wait3A_231 = arith.constant 0 : i32
        %dma_wait3A_232 = tpu.memref_slice %arg2[%scan3A, %dma_wait3A_230, %dma_wait3A_231] : memref<2x50176x32xf32, #tpu.memory_space<hbm>> -> memref<1x50176x32xf32, #tpu.memory_space<hbm>>
        %dma_wait3A_233 = tpu.memref_squeeze %dma_wait3A_232 : memref<1x50176x32xf32, #tpu.memory_space<hbm>> -> memref<50176x32xf32, #tpu.memory_space<hbm>>
        %dma_wait3A_234 = arith.constant 0 : i32
        %dma_wait3A_235 = arith.constant 0 : i32
        %dma_wait3A_236 = tpu.memref_slice %dma_wait3A_233[%dma_wait3A_234, %dma_wait3A_235] : memref<50176x32xf32, #tpu.memory_space<hbm>> -> memref<50176x32xf32, #tpu.memory_space<hbm>>
        tpu.wait_indirect_dma semaphore(%arg11 : memref<!tpu.dma_semaphore, #tpu.memory_space<semaphore_mem>>) src(%dma_wait3A_236 : memref<50176x32xf32, #tpu.memory_space<hbm>>) dst(%dma_wait3A_222 : memref<125x32xf32, #tpu.memory_space<vmem>>)
        %dma_start3A_237 = arith.constant 0 : i32
        %dma_start3A_238 = arith.constant 0 : i32
        %dma_start3A_239 = tpu.memref_slice %arg9[%select_n3A_218, %dma_start3A_237, %dma_start3A_238] : memref<5x125x32xf32, #tpu.memory_space<vmem>> -> memref<1x125x32xf32, #tpu.memory_space<vmem>>
        %dma_start3A_240 = tpu.memref_squeeze %dma_start3A_239 : memref<1x125x32xf32, #tpu.memory_space<vmem>> -> memref<125x32xf32, #tpu.memory_space<vmem>>
        %dma_start3A_241 = arith.constant 0 : i32
        %dma_start3A_242 = arith.constant 0 : i32
        %dma_start3A_243 = tpu.memref_slice %arg8[%select_n3A_182, %dma_start3A_241, %dma_start3A_242] : memref<2x16x125xi32, #tpu.memory_space<vmem>> -> memref<1x16x125xi32, #tpu.memory_space<vmem>>
        %dma_start3A_244 = tpu.memref_squeeze %dma_start3A_243 : memref<1x16x125xi32, #tpu.memory_space<vmem>> -> memref<16x125xi32, #tpu.memory_space<vmem>>
        %dma_start3A_245 = arith.constant 0 : i32
        %dma_start3A_246 = tpu.memref_slice %dma_start3A_244[%select_n3A_166, %dma_start3A_245] : memref<16x125xi32, #tpu.memory_space<vmem>> -> memref<1x125xi32, #tpu.memory_space<vmem>>
        %dma_start3A_247 = tpu.memref_squeeze %dma_start3A_246 : memref<1x125xi32, #tpu.memory_space<vmem>> -> memref<125xi32, #tpu.memory_space<vmem>>
        %dma_start3A_248 = arith.constant 0 : i32
        %dma_start3A_249 = arith.constant 0 : i32
        %dma_start3A_250 = tpu.memref_slice %arg10[%dma_start3A_248, %dma_start3A_249] : memref<50176x32xf32, #tpu.memory_space<vmem_shared>> -> memref<50176x32xf32, #tpu.memory_space<vmem_shared>>
        tpu.enqueue_indirect_dma source(%dma_start3A_240 : memref<125x32xf32, #tpu.memory_space<vmem>>) target(%dma_start3A_250 : memref<50176x32xf32, #tpu.memory_space<vmem_shared>>) offsets(%dma_start3A_247 : memref<125xi32, #tpu.memory_space<vmem>>) semaphore(%arg12 : memref<!tpu.dma_semaphore, #tpu.memory_space<semaphore_mem>>) {add = true}
        %ge3A = arith.constant 2 : i32
        %ge3A_251 = arith.cmpi sge, %scan3A_135, %ge3A : i32
        %convert_element_type3A_252 = arith.extui %ge3A_251 : i1 to i32
        %cond3A_253 = arith.constant 0 : i32
        %cond3A_254 = arith.cmpi ne, %convert_element_type3A_252, %cond3A_253 : i32
        scf.if %cond3A_254 {
          %dma_wait3A_263 = arith.constant 0 : i32
          %dma_wait3A_264 = arith.constant 0 : i32
          %dma_wait3A_265 = tpu.memref_slice %arg9[%select_n3A_218, %dma_wait3A_263, %dma_wait3A_264] : memref<5x125x32xf32, #tpu.memory_space<vmem>> -> memref<1x125x32xf32, #tpu.memory_space<vmem>>
          %dma_wait3A_266 = tpu.memref_squeeze %dma_wait3A_265 : memref<1x125x32xf32, #tpu.memory_space<vmem>> -> memref<125x32xf32, #tpu.memory_space<vmem>>
          %dma_wait3A_267 = arith.constant 0 : i32
          %dma_wait3A_268 = arith.constant 0 : i32
          %dma_wait3A_269 = tpu.memref_slice %arg8[%select_n3A_182, %dma_wait3A_267, %dma_wait3A_268] : memref<2x16x125xi32, #tpu.memory_space<vmem>> -> memref<1x16x125xi32, #tpu.memory_space<vmem>>
          %dma_wait3A_270 = tpu.memref_squeeze %dma_wait3A_269 : memref<1x16x125xi32, #tpu.memory_space<vmem>> -> memref<16x125xi32, #tpu.memory_space<vmem>>
          %dma_wait3A_271 = arith.constant 0 : i32
          %dma_wait3A_272 = tpu.memref_slice %dma_wait3A_270[%select_n3A_166, %dma_wait3A_271] : memref<16x125xi32, #tpu.memory_space<vmem>> -> memref<1x125xi32, #tpu.memory_space<vmem>>
          %dma_wait3A_273 = tpu.memref_squeeze %dma_wait3A_272 : memref<1x125xi32, #tpu.memory_space<vmem>> -> memref<125xi32, #tpu.memory_space<vmem>>
          %dma_wait3A_274 = arith.constant 0 : i32
          %dma_wait3A_275 = arith.constant 0 : i32
          %dma_wait3A_276 = tpu.memref_slice %arg10[%dma_wait3A_274, %dma_wait3A_275] : memref<50176x32xf32, #tpu.memory_space<vmem_shared>> -> memref<50176x32xf32, #tpu.memory_space<vmem_shared>>
          tpu.wait_indirect_dma semaphore(%arg12 : memref<!tpu.dma_semaphore, #tpu.memory_space<semaphore_mem>>) src(%dma_wait3A_266 : memref<125x32xf32, #tpu.memory_space<vmem>>) dst(%dma_wait3A_276 : memref<50176x32xf32, #tpu.memory_space<vmem_shared>>)
        } else {
        }
        %add3A_255 = arith.constant 3 : i32
        %add3A_256 = arith.addi %scan3A_135, %add3A_255 : i32
        %lt3A_257 = arith.constant 400 : i32
        %lt3A_258 = arith.cmpi slt, %add3A_256, %lt3A_257 : i32
        %convert_element_type3A_259 = arith.extui %lt3A_258 : i1 to i32
        %cond3A_260 = arith.constant 0 : i32
        %cond3A_261 = arith.cmpi ne, %convert_element_type3A_259, %cond3A_260 : i32
        scf.if %cond3A_261 {
          %add3A_263 = arith.constant 3 : i32
          %add3A_264 = arith.addi %scan3A_135, %add3A_263 : i32
          %jit3A_265 = arith.constant 16 : i32
          %div3A_266 = arith.divsi %add3A_264, %jit3A_265 : i32
          %sign3A_267 = arith.constant 0 : i32
          %sign3A_268 = arith.cmpi sgt, %add3A_264, %sign3A_267 : i32
          %sign3A_269 = arith.extui %sign3A_268 : i1 to i32
          %sign3A_270 = arith.constant 0 : i32
          %sign3A_271 = arith.cmpi slt, %add3A_264, %sign3A_270 : i32
          %sign3A_272 = arith.extui %sign3A_271 : i1 to i32
          %sign3A_273 = arith.subi %sign3A_269, %sign3A_272 : i32
          %sign3A_274 = arith.constant 0 : i32
          %sign3A_275 = arith.cmpi sgt, %jit3A_265, %sign3A_274 : i32
          %sign3A_276 = arith.extui %sign3A_275 : i1 to i32
          %sign3A_277 = arith.constant 0 : i32
          %sign3A_278 = arith.cmpi slt, %jit3A_265, %sign3A_277 : i32
          %sign3A_279 = arith.extui %sign3A_278 : i1 to i32
          %sign3A_280 = arith.subi %sign3A_276, %sign3A_279 : i32
          %ne3A_281 = arith.cmpi ne, %sign3A_273, %sign3A_280 : i32
          %rem3A_282 = arith.remsi %add3A_264, %jit3A_265 : i32
          %ne3A_283 = arith.constant 0 : i32
          %ne3A_284 = arith.cmpi ne, %rem3A_282, %ne3A_283 : i32
          %and3A_285 = arith.andi %ne3A_281, %ne3A_284 : i1
          %sub3A_286 = arith.constant 1 : i32
          %sub3A_287 = arith.subi %div3A_266, %sub3A_286 : i32
          %select_n3A_288 = arith.select %and3A_285, %sub3A_287, %div3A_266 : i32
          %jit3A_289 = arith.constant 2 : i32
          %eq3A_290 = arith.constant 0 : i32
          %eq3A_291 = arith.cmpi eq, %jit3A_289, %eq3A_290 : i32
          %jit3A_292 = arith.constant 1 : i32
          %select_n3A_293 = arith.select %eq3A_291, %jit3A_292, %jit3A_289 : i32
          %rem3A_294 = arith.remsi %select_n3A_288, %select_n3A_293 : i32
          %ne3A_295 = arith.constant 0 : i32
          %ne3A_296 = arith.cmpi ne, %rem3A_294, %ne3A_295 : i32
          %lt3A_297 = arith.constant 0 : i32
          %lt3A_298 = arith.cmpi slt, %rem3A_294, %lt3A_297 : i32
          %lt3A_299 = arith.constant 0 : i32
          %lt3A_300 = arith.cmpi slt, %select_n3A_293, %lt3A_299 : i32
          %ne3A_301 = arith.xori %lt3A_298, %lt3A_300 : i1
          %and3A_302 = arith.andi %ne3A_301, %ne3A_296 : i1
          %add3A_303 = arith.addi %rem3A_294, %select_n3A_293 : i32
          %select_n3A_304 = arith.select %and3A_302, %add3A_303, %rem3A_294 : i32
          %jit3A_305 = arith.constant 16 : i32
          %eq3A_306 = arith.constant 0 : i32
          %eq3A_307 = arith.cmpi eq, %jit3A_305, %eq3A_306 : i32
          %jit3A_308 = arith.constant 1 : i32
          %select_n3A_309 = arith.select %eq3A_307, %jit3A_308, %jit3A_305 : i32
          %rem3A_310 = arith.remsi %add3A_264, %select_n3A_309 : i32
          %ne3A_311 = arith.constant 0 : i32
          %ne3A_312 = arith.cmpi ne, %rem3A_310, %ne3A_311 : i32
          %lt3A_313 = arith.constant 0 : i32
          %lt3A_314 = arith.cmpi slt, %rem3A_310, %lt3A_313 : i32
          %lt3A_315 = arith.constant 0 : i32
          %lt3A_316 = arith.cmpi slt, %select_n3A_309, %lt3A_315 : i32
          %ne3A_317 = arith.xori %lt3A_314, %lt3A_316 : i1
          %and3A_318 = arith.andi %ne3A_317, %ne3A_312 : i1
          %add3A_319 = arith.addi %rem3A_310, %select_n3A_309 : i32
          %select_n3A_320 = arith.select %and3A_318, %add3A_319, %rem3A_310 : i32
          %jit3A_321 = arith.constant 5 : i32
          %eq3A_322 = arith.constant 0 : i32
          %eq3A_323 = arith.cmpi eq, %jit3A_321, %eq3A_322 : i32
          %jit3A_324 = arith.constant 1 : i32
          %select_n3A_325 = arith.select %eq3A_323, %jit3A_324, %jit3A_321 : i32
          %rem3A_326 = arith.remsi %add3A_264, %select_n3A_325 : i32
          %ne3A_327 = arith.constant 0 : i32
          %ne3A_328 = arith.cmpi ne, %rem3A_326, %ne3A_327 : i32
          %lt3A_329 = arith.constant 0 : i32
          %lt3A_330 = arith.cmpi slt, %rem3A_326, %lt3A_329 : i32
          %lt3A_331 = arith.constant 0 : i32
          %lt3A_332 = arith.cmpi slt, %select_n3A_325, %lt3A_331 : i32
          %ne3A_333 = arith.xori %lt3A_330, %lt3A_332 : i1
          %and3A_334 = arith.andi %ne3A_333, %ne3A_328 : i1
          %add3A_335 = arith.addi %rem3A_326, %select_n3A_325 : i32
          %select_n3A_336 = arith.select %and3A_334, %add3A_335, %rem3A_326 : i32
          %dma_start3A_337 = arith.constant 0 : i32
          %dma_start3A_338 = arith.constant 0 : i32
          %dma_start3A_339 = tpu.memref_slice %arg9[%select_n3A_336, %dma_start3A_337, %dma_start3A_338] : memref<5x125x32xf32, #tpu.memory_space<vmem>> -> memref<1x125x32xf32, #tpu.memory_space<vmem>>
          %dma_start3A_340 = tpu.memref_squeeze %dma_start3A_339 : memref<1x125x32xf32, #tpu.memory_space<vmem>> -> memref<125x32xf32, #tpu.memory_space<vmem>>
          %dma_start3A_341 = arith.constant 0 : i32
          %dma_start3A_342 = arith.constant 0 : i32
          %dma_start3A_343 = tpu.memref_slice %arg7[%select_n3A_304, %dma_start3A_341, %dma_start3A_342] : memref<2x16x125xi32, #tpu.memory_space<vmem>> -> memref<1x16x125xi32, #tpu.memory_space<vmem>>
          %dma_start3A_344 = tpu.memref_squeeze %dma_start3A_343 : memref<1x16x125xi32, #tpu.memory_space<vmem>> -> memref<16x125xi32, #tpu.memory_space<vmem>>
          %dma_start3A_345 = arith.constant 0 : i32
          %dma_start3A_346 = tpu.memref_slice %dma_start3A_344[%select_n3A_320, %dma_start3A_345] : memref<16x125xi32, #tpu.memory_space<vmem>> -> memref<1x125xi32, #tpu.memory_space<vmem>>
          %dma_start3A_347 = tpu.memref_squeeze %dma_start3A_346 : memref<1x125xi32, #tpu.memory_space<vmem>> -> memref<125xi32, #tpu.memory_space<vmem>>
          %dma_start3A_348 = arith.constant 0 : i32
          %dma_start3A_349 = arith.constant 0 : i32
          %dma_start3A_350 = tpu.memref_slice %arg2[%scan3A, %dma_start3A_348, %dma_start3A_349] : memref<2x50176x32xf32, #tpu.memory_space<hbm>> -> memref<1x50176x32xf32, #tpu.memory_space<hbm>>
          %dma_start3A_351 = tpu.memref_squeeze %dma_start3A_350 : memref<1x50176x32xf32, #tpu.memory_space<hbm>> -> memref<50176x32xf32, #tpu.memory_space<hbm>>
          %dma_start3A_352 = arith.constant 0 : i32
          %dma_start3A_353 = arith.constant 0 : i32
          %dma_start3A_354 = tpu.memref_slice %dma_start3A_351[%dma_start3A_352, %dma_start3A_353] : memref<50176x32xf32, #tpu.memory_space<hbm>> -> memref<50176x32xf32, #tpu.memory_space<hbm>>
          tpu.enqueue_indirect_dma source(%dma_start3A_354 : memref<50176x32xf32, #tpu.memory_space<hbm>>) target(%dma_start3A_340 : memref<125x32xf32, #tpu.memory_space<vmem>>) offsets(%dma_start3A_347 : memref<125xi32, #tpu.memory_space<vmem>>) semaphore(%arg11 : memref<!tpu.dma_semaphore, #tpu.memory_space<semaphore_mem>>)
        } else {
        }
        %scan3A_262 = arith.constant 0 : i32
        scf.yield %scan3A_262 : i32
      }
      %scan3A_100 = arith.constant 400 : i32
      %dma_wait3A_101 = arith.constant 0 : i32
      %dma_wait3A_102 = arith.constant 0 : i32
      %dma_wait3A_103 = arith.constant 0 : i32
      %dma_wait3A_104 = arith.constant 0 : i32
      %dma_wait3A_105 = arith.constant 0 : i32
      %dma_wait3A_106 = tpu.memref_slice %arg9[%dma_wait3A_101, %dma_wait3A_104, %dma_wait3A_105] : memref<5x125x32xf32, #tpu.memory_space<vmem>> -> memref<1x125x32xf32, #tpu.memory_space<vmem>>
      %dma_wait3A_107 = tpu.memref_squeeze %dma_wait3A_106 : memref<1x125x32xf32, #tpu.memory_space<vmem>> -> memref<125x32xf32, #tpu.memory_space<vmem>>
      %dma_wait3A_108 = arith.constant 0 : i32
      %dma_wait3A_109 = arith.constant 0 : i32
      %dma_wait3A_110 = tpu.memref_slice %arg8[%dma_wait3A_102, %dma_wait3A_108, %dma_wait3A_109] : memref<2x16x125xi32, #tpu.memory_space<vmem>> -> memref<1x16x125xi32, #tpu.memory_space<vmem>>
      %dma_wait3A_111 = tpu.memref_squeeze %dma_wait3A_110 : memref<1x16x125xi32, #tpu.memory_space<vmem>> -> memref<16x125xi32, #tpu.memory_space<vmem>>
      %dma_wait3A_112 = arith.constant 0 : i32
      %dma_wait3A_113 = tpu.memref_slice %dma_wait3A_111[%dma_wait3A_103, %dma_wait3A_112] : memref<16x125xi32, #tpu.memory_space<vmem>> -> memref<1x125xi32, #tpu.memory_space<vmem>>
      %dma_wait3A_114 = tpu.memref_squeeze %dma_wait3A_113 : memref<1x125xi32, #tpu.memory_space<vmem>> -> memref<125xi32, #tpu.memory_space<vmem>>
      %dma_wait3A_115 = arith.constant 0 : i32
      %dma_wait3A_116 = arith.constant 0 : i32
      %dma_wait3A_117 = tpu.memref_slice %arg10[%dma_wait3A_115, %dma_wait3A_116] : memref<50176x32xf32, #tpu.memory_space<vmem_shared>> -> memref<50176x32xf32, #tpu.memory_space<vmem_shared>>
      tpu.wait_indirect_dma semaphore(%arg12 : memref<!tpu.dma_semaphore, #tpu.memory_space<semaphore_mem>>) src(%dma_wait3A_107 : memref<125x32xf32, #tpu.memory_space<vmem>>) dst(%dma_wait3A_117 : memref<50176x32xf32, #tpu.memory_space<vmem_shared>>)
      %dma_wait3A_118 = arith.constant 1 : i32
      %dma_wait3A_119 = arith.constant 0 : i32
      %dma_wait3A_120 = arith.constant 1 : i32
      %dma_wait3A_121 = arith.constant 0 : i32
      %dma_wait3A_122 = arith.constant 0 : i32
      %dma_wait3A_123 = tpu.memref_slice %arg9[%dma_wait3A_118, %dma_wait3A_121, %dma_wait3A_122] : memref<5x125x32xf32, #tpu.memory_space<vmem>> -> memref<1x125x32xf32, #tpu.memory_space<vmem>>
      %dma_wait3A_124 = tpu.memref_squeeze %dma_wait3A_123 : memref<1x125x32xf32, #tpu.memory_space<vmem>> -> memref<125x32xf32, #tpu.memory_space<vmem>>
      %dma_wait3A_125 = arith.constant 0 : i32
      %dma_wait3A_126 = arith.constant 0 : i32
      %dma_wait3A_127 = tpu.memref_slice %arg8[%dma_wait3A_119, %dma_wait3A_125, %dma_wait3A_126] : memref<2x16x125xi32, #tpu.memory_space<vmem>> -> memref<1x16x125xi32, #tpu.memory_space<vmem>>
      %dma_wait3A_128 = tpu.memref_squeeze %dma_wait3A_127 : memref<1x16x125xi32, #tpu.memory_space<vmem>> -> memref<16x125xi32, #tpu.memory_space<vmem>>
      %dma_wait3A_129 = arith.constant 0 : i32
      %dma_wait3A_130 = tpu.memref_slice %dma_wait3A_128[%dma_wait3A_120, %dma_wait3A_129] : memref<16x125xi32, #tpu.memory_space<vmem>> -> memref<1x125xi32, #tpu.memory_space<vmem>>
      %dma_wait3A_131 = tpu.memref_squeeze %dma_wait3A_130 : memref<1x125xi32, #tpu.memory_space<vmem>> -> memref<125xi32, #tpu.memory_space<vmem>>
      %dma_wait3A_132 = arith.constant 0 : i32
      %dma_wait3A_133 = arith.constant 0 : i32
      %dma_wait3A_134 = tpu.memref_slice %arg10[%dma_wait3A_132, %dma_wait3A_133] : memref<50176x32xf32, #tpu.memory_space<vmem_shared>> -> memref<50176x32xf32, #tpu.memory_space<vmem_shared>>
      tpu.wait_indirect_dma semaphore(%arg12 : memref<!tpu.dma_semaphore, #tpu.memory_space<semaphore_mem>>) src(%dma_wait3A_124 : memref<125x32xf32, #tpu.memory_space<vmem>>) dst(%dma_wait3A_134 : memref<50176x32xf32, #tpu.memory_space<vmem_shared>>)
    } else {
    }
    %barrier3A = arith.constant 0 : index
    tpu.barrier barrier_id(%barrier3A)
    %eq3A_13 = arith.constant 0 : i32
    %eq3A_14 = arith.cmpi eq, %arg0, %eq3A_13 : i32
    %convert_element_type3A_15 = arith.extui %eq3A_14 : i1 to i32
    %cond3A_16 = arith.constant 0 : i32
    %cond3A_17 = arith.cmpi ne, %convert_element_type3A_15, %cond3A_16 : i32
    scf.if %cond3A_17 {
      %run_scoped3A = arith.constant 0 : i32
      "tpu.region"() ({
        %run_scoped3A_23 = tpu.sem_alloc : memref<!tpu.dma_semaphore, #tpu.memory_space<semaphore_mem>>
        %dma_start3A_24 = arith.constant 0 : i32
        %dma_start3A_25 = arith.constant 0 : i32
        %dma_start3A_26 = tpu.memref_slice %arg6[%run_scoped3A, %dma_start3A_24, %dma_start3A_25] : memref<2x50176x32xf32, #tpu.memory_space<hbm>> -> memref<1x50176x32xf32, #tpu.memory_space<hbm>>
        %dma_start3A_27 = tpu.memref_squeeze %dma_start3A_26 : memref<1x50176x32xf32, #tpu.memory_space<hbm>> -> memref<50176x32xf32, #tpu.memory_space<hbm>>
        %dma_start3A_28 = arith.constant 0 : i32
        %dma_start3A_29 = tpu.memref_slice %dma_start3A_27[%mul3A_0, %dma_start3A_28] : memref<50176x32xf32, #tpu.memory_space<hbm>> -> memref<3136x32xf32, #tpu.memory_space<hbm>>
        %dma_start3A_30 = arith.constant 0 : i32
        %dma_start3A_31 = tpu.memref_slice %arg10[%mul3A_0, %dma_start3A_30] : memref<50176x32xf32, #tpu.memory_space<vmem_shared>> -> memref<3136x32xf32, #tpu.memory_space<vmem_shared>>
        tpu.enqueue_dma source(%dma_start3A_31 : memref<3136x32xf32, #tpu.memory_space<vmem_shared>>) target(%dma_start3A_29 : memref<3136x32xf32, #tpu.memory_space<hbm>>) target_semaphore(%run_scoped3A_23 : memref<!tpu.dma_semaphore, #tpu.memory_space<semaphore_mem>>)
        %dma_wait3A = arith.constant 0 : i32
        %dma_wait3A_32 = arith.constant 0 : i32
        %dma_wait3A_33 = tpu.memref_slice %arg6[%run_scoped3A, %dma_wait3A, %dma_wait3A_32] : memref<2x50176x32xf32, #tpu.memory_space<hbm>> -> memref<1x50176x32xf32, #tpu.memory_space<hbm>>
        %dma_wait3A_34 = tpu.memref_squeeze %dma_wait3A_33 : memref<1x50176x32xf32, #tpu.memory_space<hbm>> -> memref<50176x32xf32, #tpu.memory_space<hbm>>
        %dma_wait3A_35 = arith.constant 0 : i32
        %dma_wait3A_36 = tpu.memref_slice %dma_wait3A_34[%mul3A_0, %dma_wait3A_35] : memref<50176x32xf32, #tpu.memory_space<hbm>> -> memref<3136x32xf32, #tpu.memory_space<hbm>>
        %dma_wait3A_37 = arith.constant 0 : i32
        %dma_wait3A_38 = tpu.memref_slice %arg10[%mul3A_0, %dma_wait3A_37] : memref<50176x32xf32, #tpu.memory_space<vmem_shared>> -> memref<3136x32xf32, #tpu.memory_space<vmem_shared>>
        tpu.wait_dma2 semaphore(%run_scoped3A_23 : memref<!tpu.dma_semaphore, #tpu.memory_space<semaphore_mem>>) src(%dma_wait3A_38 : memref<3136x32xf32, #tpu.memory_space<vmem_shared>>) dst(%dma_wait3A_36 : memref<3136x32xf32, #tpu.memory_space<hbm>>)
        tpu.yield
      }) : () -> ()
    } else {
    }
    %eq3A_18 = arith.constant 1 : i32
    %eq3A_19 = arith.cmpi eq, %arg0, %eq3A_18 : i32
    %convert_element_type3A_20 = arith.extui %eq3A_19 : i1 to i32
    %cond3A_21 = arith.constant 0 : i32
    %cond3A_22 = arith.cmpi ne, %convert_element_type3A_20, %cond3A_21 : i32
    scf.if %cond3A_22 {
      %run_scoped3A = arith.constant 1 : i32
      "tpu.region"() ({
        %run_scoped3A_23 = tpu.sem_alloc : memref<!tpu.dma_semaphore, #tpu.memory_space<semaphore_mem>>
        %dma_start3A_24 = arith.constant 0 : i32
        %dma_start3A_25 = arith.constant 0 : i32
        %dma_start3A_26 = tpu.memref_slice %arg6[%run_scoped3A, %dma_start3A_24, %dma_start3A_25] : memref<2x50176x32xf32, #tpu.memory_space<hbm>> -> memref<1x50176x32xf32, #tpu.memory_space<hbm>>
        %dma_start3A_27 = tpu.memref_squeeze %dma_start3A_26 : memref<1x50176x32xf32, #tpu.memory_space<hbm>> -> memref<50176x32xf32, #tpu.memory_space<hbm>>
        %dma_start3A_28 = arith.constant 0 : i32
        %dma_start3A_29 = tpu.memref_slice %dma_start3A_27[%mul3A_0, %dma_start3A_28] : memref<50176x32xf32, #tpu.memory_space<hbm>> -> memref<3136x32xf32, #tpu.memory_space<hbm>>
        %dma_start3A_30 = arith.constant 0 : i32
        %dma_start3A_31 = tpu.memref_slice %arg10[%mul3A_0, %dma_start3A_30] : memref<50176x32xf32, #tpu.memory_space<vmem_shared>> -> memref<3136x32xf32, #tpu.memory_space<vmem_shared>>
        tpu.enqueue_dma source(%dma_start3A_31 : memref<3136x32xf32, #tpu.memory_space<vmem_shared>>) target(%dma_start3A_29 : memref<3136x32xf32, #tpu.memory_space<hbm>>) target_semaphore(%run_scoped3A_23 : memref<!tpu.dma_semaphore, #tpu.memory_space<semaphore_mem>>)
        %dma_wait3A = arith.constant 0 : i32
        %dma_wait3A_32 = arith.constant 0 : i32
        %dma_wait3A_33 = tpu.memref_slice %arg6[%run_scoped3A, %dma_wait3A, %dma_wait3A_32] : memref<2x50176x32xf32, #tpu.memory_space<hbm>> -> memref<1x50176x32xf32, #tpu.memory_space<hbm>>
        %dma_wait3A_34 = tpu.memref_squeeze %dma_wait3A_33 : memref<1x50176x32xf32, #tpu.memory_space<hbm>> -> memref<50176x32xf32, #tpu.memory_space<hbm>>
        %dma_wait3A_35 = arith.constant 0 : i32
        %dma_wait3A_36 = tpu.memref_slice %dma_wait3A_34[%mul3A_0, %dma_wait3A_35] : memref<50176x32xf32, #tpu.memory_space<hbm>> -> memref<3136x32xf32, #tpu.memory_space<hbm>>
        %dma_wait3A_37 = arith.constant 0 : i32
        %dma_wait3A_38 = tpu.memref_slice %arg10[%mul3A_0, %dma_wait3A_37] : memref<50176x32xf32, #tpu.memory_space<vmem_shared>> -> memref<3136x32xf32, #tpu.memory_space<vmem_shared>>
        tpu.wait_dma2 semaphore(%run_scoped3A_23 : memref<!tpu.dma_semaphore, #tpu.memory_space<semaphore_mem>>) src(%dma_wait3A_38 : memref<3136x32xf32, #tpu.memory_space<vmem_shared>>) dst(%dma_wait3A_36 : memref<3136x32xf32, #tpu.memory_space<hbm>>)
        tpu.yield
      }) : () -> ()
    } else {
    }
    return
  }
}

</mosaic_0001>

<sc_bundles>
// kernel: _sc_scatter.3.cloned.1.call-start
scs
__scs_entry_jumppad:
0x0: {  	(pc) =	sbr.rel $0x88, $3  }
0x1: {  	(tag) =	ssettag $0x0;
	lr =	simm.s32 $0x1  }
0x2: {  	[smem:$0x3F9D] =	sst lr;
	_ =	strace $0xD0000000  }
0x3: {  	_ = 	snop  }
0x4: {  	_ = 	snop  }
0x5: {  	_ = 	snop  }
0x6: {  	_ = 	snop  }
0x7: {  	_ = 	snop  }
__scs_overlays_trampoline_lowered:
0x8: {  	[smem:$0x3FAC] =	sst s0  }
0x9: {  	[smem:$0x3FAD] =	sst s1  }
0xa: {  	[smem:$0x3FAE] =	sst s2  }
0xb: {  	[smem:$0x3FAF] =	sst s3  }
0xc: {  	[smem:$0x3FB0] =	sst s4  }
0xd: {  	[smem:$0x3FB1] =	sst s5  }
0xe: {  	[smem:$0x3FB2] =	sst s6  }
0xf: {  	[smem:$0x3FB3] =	sst s7  }
0x10: {  	[smem:$0x3FB4] =	sst s8  }
0x11: {  	[smem:$0x3FB5] =	sst s9;
	s0 =	simm.s32 @!p0 $0x0  }
0x12: {  	s1 =	sld [smem:$0x3F9B];
	s0 =	simm.s32 @p0 $0x1  }
0x13: {  	[smem:$0x3FB6] =	sst s0;
	s0 =	simm.s32 @!p1 $0x0  }
0x14: {  	s2 =	sld [smem:$0x3F9A];
	s0 =	simm.s32 @p1 $0x1  }
0x15: {  	[smem:$0x3FB7] =	sst s0;
	s0 =	simm.s32 @!p2 $0x0  }
0x16: {  	s3 =	sld [smem:$0x3FDB];
	s0 =	simm.s32 @p2 $0x1  }
0x17: {  	s4 =	simm.s32 $0x1BF5;
	[smem:$0x3FB9] =	sst s0  }
0x18: {  	s0 =	sld [smem:$0x3F9C];
	_ =	swait.ge [sflag:s4], $0x0  }
0x19: {  	s7 =	sld [smem:$0x3F9D]  }
0x1a: {  	s8 =	sadd.s32 $0xFFFFE003, lr  }
0x1b: {  	s9 =	sadd.s32 $0xFFFFFEF7, lr;
	s5 =	simm.s32 $0xFFFFFFFF;
	p2 =	slt.u32 s8, $0xFFFFF086  }
0x1c: {  	p1 =	slt.u32 s9, $0xF7A;
	s5 =	simm.s32 @!p2 $0x0  }
0x1d: {  	s5 =	simm.s32 @p1 $0x1;
	p0 =	seq.s32 s7, s2  }
0x1e: {  	s7 =	smul.u32 @!p0 $0xF7A, s2;
	p2 =	seq.s32 @!p0 s5, $0x0  }
0x1f: {  	s9 =	smul.u32 $0xF7A, s1;
	s8 =	simm.s32 @!p0 $0x1BF5;
	p2 =	por !p2, p0  }
0x20: {  	[sflag:s8] =	ssyncset.s32 @!p0 $0xFFFFF086;
	s6 =	sadd.s32 @!p0 s3, s7;
	s7 =	simm.s32 @!p0 $0x108  }
0x21: {  	s3 =	sadd.s32 s3, s9;
	s6 =	sadd.s32 @!p0 $0x88, s6;
	s7 =	simm.s32 @p2 $0x1082  }
0x22: {  	[simem:s7], [sflag:s8] =	dma.local @!p0 [hbm:s6], $0xF7A  }
0x23: {  	s9 =	sor.u32 $0xD0000000, s2;
	s6 =	simm.s32 $0x108;
	_ =	swait.ge @!p0 [sflag:s8], $0x0  }
0x24: {  	s3 =	sadd.s32 $0x88, s3;
	s6 =	simm.s32 @!p1 $0x1082;
	[sflag:s4] =	ssyncset.s32 $0xFFFFF086  }
0x25: {  	[simem:s6], [sflag:s4] =	dma.local [hbm:s3], $0xF7A  }
0x26: {  	[smem:$0x3F9D] =	sst s1;
	(tag) =	ssettag s2;
	_ =	strace s9  }
0x27: {  	s1 =	sld [smem:$0x3FAD]  }
0x28: {  	s2 =	sld [smem:$0x3FAE]  }
0x29: {  	s4 =	sld [smem:$0x3FB0]  }
0x2a: {  	p0 =	seq.s32 s5, $0x0;
	s5 =	sld [smem:$0x3FB1]  }
0x2b: {  	s6 =	sld [smem:$0x3FB2]  }
0x2c: {  	s7 =	sld [smem:$0x3FB3]  }
0x2d: {  	s3 =	simm.s32 $0x108;
	s8 =	sld [smem:$0x3FB4]  }
0x2e: {  	s3 =	simm.s32 @!p0 $0x1082;
	s9 =	sld [smem:$0x3FB5]  }
0x2f: {  	lr =	sadd.s32 s0, s3;
	s0 =	sld [smem:$0x3FAC]  }
0x30: {  	s3 =	sld [smem:$0x3FAF]  }
0x31: {  	[smem:$0x3FB8] =	sst s10  }
0x32: {  	s10 =	sld [smem:$0x3FB6];
	_ =	sdelay $0x3  }
0x33: {  	p0 =	seq.s32 s10, $0x1;
	s10 =	sld [smem:$0x3FB8];
	_ =	sdelay $0x3  }
0x34: {  	[smem:$0x3FB8] =	sst s10  }
0x35: {  	s10 =	sld [smem:$0x3FB7];
	_ =	sdelay $0x3  }
0x36: {  	p1 =	seq.s32 s10, $0x1;
	s10 =	sld [smem:$0x3FB8];
	_ =	sdelay $0x3  }
0x37: {  	[smem:$0x3FB8] =	sst s10  }
0x38: {  	s10 =	sld [smem:$0x3FB9]  }
0x39: {  	_ = 	snop;
	(pc) =	sbr.ind lr, $3  }
0x3a: {  	_ = 	snop  }
0x3b: {  	_ = 	snop  }
0x3c: {  	p2 =	seq.s32 s10, $0x1;
	s10 =	sld [smem:$0x3FB8]  }
0x3d: {  	_ =	shalt  }
0x3e: {  	_ =	shalt  }
0x3f: {  	_ =	shalt  }
0x40: {  	_ =	shalt  }
0x41: {  	_ =	shalt  }
0x42: {  	_ =	shalt  }
0x43: {  	_ =	shalt  }
0x44: {  	_ =	shalt  }
0x45: {  	_ =	shalt  }
0x46: {  	_ =	shalt  }
0x47: {  	_ =	shalt  }
0x48: {  	_ =	shalt  }
0x49: {  	_ =	shalt  }
0x4a: {  	_ =	shalt  }
0x4b: {  	_ =	shalt  }
0x4c: {  	_ =	shalt  }
0x4d: {  	_ =	shalt  }
0x4e: {  	_ =	shalt  }
0x4f: {  	_ =	shalt  }
0x50: {  	_ =	shalt  }
0x51: {  	_ =	shalt  }
0x52: {  	_ =	shalt  }
0x53: {  	_ =	shalt  }
0x54: {  	_ =	shalt  }
0x55: {  	_ =	shalt  }
0x56: {  	_ =	shalt  }
0x57: {  	_ =	shalt  }
0x58: {  	_ =	shalt  }
0x59: {  	_ =	shalt  }
0x5a: {  	_ =	shalt  }
0x5b: {  	_ =	shalt  }
0x5c: {  	_ =	shalt  }
0x5d: {  	_ =	shalt  }
0x5e: {  	_ =	shalt  }
0x5f: {  	_ =	shalt  }
0x60: {  	_ =	shalt  }
0x61: {  	_ =	shalt  }
0x62: {  	_ =	shalt  }
0x63: {  	_ =	shalt  }
0x64: {  	_ =	shalt  }
0x65: {  	_ =	shalt  }
0x66: {  	_ =	shalt  }
0x67: {  	_ =	shalt  }
0x68: {  	_ =	shalt  }
0x69: {  	_ =	shalt  }
0x6a: {  	_ =	shalt  }
0x6b: {  	_ =	shalt  }
0x6c: {  	_ =	shalt  }
0x6d: {  	_ =	shalt  }
0x6e: {  	_ =	shalt  }
0x6f: {  	_ =	shalt  }
0x70: {  	_ =	shalt  }
0x71: {  	_ =	shalt  }
0x72: {  	_ =	shalt  }
0x73: {  	_ =	shalt  }
0x74: {  	_ =	shalt  }
0x75: {  	_ =	shalt  }
0x76: {  	_ =	shalt  }
0x77: {  	_ =	shalt  }
0x78: {  	_ =	shalt  }
0x79: {  	_ =	shalt  }
0x7a: {  	_ =	shalt  }
0x7b: {  	_ =	shalt  }
0x7c: {  	_ =	shalt  }
0x7d: {  	_ =	shalt  }
0x7e: {  	_ =	shalt  }
0x7f: {  	_ =	shalt  }
0x80: {  	_ =	shalt  }
0x81: {  	_ =	shalt  }
0x82: {  	_ =	shalt  }
0x83: {  	_ =	shalt  }
0x84: {  	_ =	shalt  }
0x85: {  	_ =	shalt  }
0x86: {  	_ =	shalt  }
0x87: {  	_ =	shalt  }
.Lfunc_end0:
.L_simem_size_0:
called_computation_lowered:
.L_overlay_start_0:
0x88: {  	s2 =	sld [smem:$0x3FD9]  }
0x89: {  	s3 =	sld [smem:$0x3FFE];
	_ =	sdelay $0x1  }
0x8a: {  	s1 =	srdreg.scid  }
0x8b: {  	s0 =	sand.u32 $0x1, s1  }
0x8c: {  	s17 =	sshll.u32 s0, $0xA;
	s2 =	sadd.s32 s3, s2  }
0x8d: {  	s2 =	sadd.s32 s2, s17  }
0x8e: {  	[smem:$0x3FC4] =	sst s2  }
0x8f: {  	_ = 	snop  }
0x90: {  	s2 =	sld [smem:$0x3FD0];
	(tm) =	ssettm $0x1  }
0x91: {  	s18 =	sld [smem:$0x3FFB];
	_ =	sdelay $0x3  }
0x92: {  	_ =	strace s18  }
0x93: {  	s3 =	sld [smem:$0x3FFC];
	_ =	sdelay $0x3  }
0x94: {  	_ =	strace s3  }
0x95: {  	s3 =	sld [smem:$0x3FFD];
	_ =	sdelay $0x3  }
0x96: {  	_ =	strace s3  }
0x97: {  	_ =	strace $0x8FFFFFFF  }
0x98: {  	s19 =	sld [smem:$0x3FDB];
	_ =	sdelay $0x1  }
0x99: {  	s4 =	simm.s32 $_scs_section_size  }
0x9a: {  	s5 =	simm.s32 $_size__tile_overlayer_lowered;
	s6 =	simm.s32 $_tile_overlayer_lowered  }
0x9b: {  	s22 =	simm.s32 $0x1BFF;
	s21 =	sshll.u32 s6, $0x1;
	s3 =	sadd.s32 s4, s19  }
0x9c: {  	s7 =	simm.s32 $0x0;
	s20 =	sshll.u32 s5, $0x1;
	s5 =	sadd.s32 s21, s3  }
0x9d: {  	[timem:s7], [sflag:s22] =	dma.local [hbm:s5], s20  }
0x9e: {  	_ =	swait.ge [sflag:s22], s20  }
0x9f: {  	s4 =	ssub.s32 $0x0, s20;
	[sflag:s22] =	ssyncset.done $0x0  }
0xa0: {  	[sflag:s22] =	ssyncadd.s32 s4;
	_ =	sdelay $0x1  }
0xa1: {  	s23 =	simm.s32 $0x1B8B  }
0xa2: {  	_ =	swait.ge [sflag:s23], $0x1  }
0xa3: {  	[sflag:s23] =	ssyncset.done $0x0  }
0xa4: {  	s25 =	simm.s32 $0x1B8E;
	s24 =	sld [smem:$0x3FFE];
	[sflag:s23] =	ssyncadd.s32 $0xFFFFFFFF  }
0xa5: {  	s26 =	simm.s32 $execute0_lowered;
	[smem:$0x3FD2] =	sst s25  }
0xa6: {  	s5 =	sshll.u32 s26, $0x1;
	_ =	strace $0x80000046;
	[dreg:$0x1] =	wrdreg $0xFFFFFFFF  }
0xa7: {  	s28 =	simm.s32 $_size_execute0_lowered;
	s3 =	sadd.s32 s3, s5;
	[dreg:$0x0] =	wrdreg $0x0  }
0xa8: {  	s5 =	sshll.u32 s28, $0x1;
	[dreg:$0x2] =	wrdreg s3  }
0xa9: {  	[dreg:$0x3] =	wrdreg s5  }
0xaa: {  	[dreg:$0x4] =	wrdreg $0xC0  }
0xab: {  	_ =	task [dreg:s7], $0x5FFFF  }
0xac: {  	[dreg:$0x1] =	wrdreg $0xFFFFFFFF  }
0xad: {  	[dreg:$0x0] =	wrdreg $0x60  }
0xae: {  	[dreg:$0x2] =	wrdreg s2  }
0xaf: {  	[dreg:$0x3] =	wrdreg s24  }
0xb0: {  	[dreg:$0x4] =	wrdreg $0x6E200  }
0xb1: {  	[dreg:$0x5] =	wrdreg $0x9  }
0xb2: {  	_ =	task.clear_ibuf [dreg:s7], $0x6FFFF;
	_ =	strace $0x90000046  }
0xb3: {  	s29 =	simm.s32 $0x9;
	_ =	strace $0x80000048  }
0xb4: {  	_ =	swait.ge [sflag:s29], $0x1  }
0xb5: {  	[sflag:s29] =	ssyncadd.s32 $0xFFFFFFFF  }
0xb6: {  	_ =	strace $0x90000048  }
0xb7: {  	_ =	sfence  }
0xb8: {  	s30 =	sld [smem:$0x0];
	_ =	sdelay $0x2  }
0xb9: {  	s31 =	sshll.u32 s1, $0xD;
	s1 =	sshrl.u32 s1, $0x2  }
0xba: {  	s3 =	sand.u32 $0x4000, s31;
	s1 =	sadd.s32 s1, s30  }
0xbb: {  	s0 =	sor.u32 s3, s0;
	s1 =	sshll.u32 s1, $0x11  }
0xbc: {  	s0 =	sor.u32 s1, s0  }
0xbd: {  	s0 =	sadd.s32 $0x8F2B, s0  }
0xbe: {  	[sflag:s0] =	ssyncadd.remote.s32 $0x1  }
0xbf: {  	_ =	sfence.sel $0xFFFF  }
0xc0: {  	[dreg:$0x0] =	wrdreg $0xFFFFFFFF;
	(pc) =	sbr.abs _section_cstart, $3  }
0xc1: {  	[dreg:$0x1] =	wrdreg $0xFFFFFFFF  }
0xc2: {  	_ =	task.clear_ibuf [dreg:s7], $0x2FFFF;
	_ =	strace $0x9FFFFFFF  }
0xc3: {  	(tm) =	ssettm $0x7FFFFFFF  }
tec
execute0_lowered:
.L_overlay_start_1:
0x0: {  	(tag) =	ssettag $0x1  }
0x1: {  	s2 =	rddreg [dreg:$0x0]  }
0x2: {  	s0 =	rddreg [dreg:$0x1]  }
0x3: {  	s3 =	rddreg [dreg:$0x2]  }
0x4: {  	s8 =	stileid.u32;
	s1 =	srdreg.scid  }
0x5: {  	s4 =	simm.s32 $0x0;
	s18 =	simm.s32 $0x7D;
	s20 =	simm.s32 $0x80  }
0x6: {  	s21 =	simm.s32 $0x2FA0;
	s22 =	simm.s32 $0x100;
	s23 =	simm.s32 $0x3F40  }
0x7: {  	s25 =	simm.s32 $0x4;
	s28 =	simm.s32 $0x2;
	s29 =	simm.s32 $0x0  }
0x8: {  	s5 =	smul.u32 $0x18800, s8;
	s13 =	sand.u32 $0x1, s1;
	[smem:$0x7FF] =	sst s4  }
0x9: {  	s26 =	smul.u32 $0x1900, s8;
	s10 =	sadd.s32 $0x31000, s2;
	s17 =	sadd.s32 $0x94A00, s0  }
0xa: {  	s6 =	ssub.s32 $0x2, s13;
	_ =	strace $0x80000047;
	p0 =	sne.s32 s13, $0x0  }
0xb: {  	s14 =	sshrl.u32 s5, $0x3;
	s7 =	sshrl.u32 s6, $0x1;
	s15 =	sadd.s32 s26, s0  }
0xc: {  	s16 =	sadd.s32 s5, s3;
	s26 =	simm.s32 $0x1;
	s30 =	sadd.s32 s14, s0  }
.Ltmp0:
0xd: {  	s12 =	ssub.s32 s6, s7;
	s6 =	sshll.u32 s8, $0x6;
	(pc) =	sbr.rel .LBB2_1-.Ltmp0, $4  }
0xe: {  	s8 =	sadd.s32 $0x4AA00, s15;
	s9 =	sadd.s32 $0x31A00, s15;
	s1 =	sadd.s32 $0x31B00, s15  }
0xf: {  	s0 =	sadd.s32 $0x4AB00, s15;
	s15 =	sshrl.u32 s16, $0x3;
	s16 =	simm.s32 $0x5  }
0x10: {  	s24 =	sadd.s32 s14, s17;
	s5 =	sadd.s32 $0xA00, s30;
	s31 =	sadd.s32 $0x63A00, s30  }
0x11: {  	s7 =	sor.u32 $0x1C04, s6;
	s12 =	smax.u32 s12, $0x1;
	[dreg:$0x4] =	wrdreg s31  }
.LBB2_13:
0x12: {  	_ =	swait.ge [sflag:s28], $0xFA0  }
0x13: {  	[sflag:s28] =	ssyncset.done $0x0  }
0x14: {  	[sflag:s28] =	ssyncadd.s32 $0xFFFFF060  }
0x15: {  	_ =	swait.ge [sflag:s28], $0xFA0  }
0x16: {  	[sflag:s28] =	ssyncset.done $0x0  }
0x17: {  	[sflag:s28] =	ssyncadd.s32 $0xFFFFF060  }
0x18: {  	s13 =	smov.u32 s24;
	[bflag:$0x0] =	sbarrier.arrive $0xFFFF  }
.LBB2_14:
0x19: {  	s29 =	sadd.s32 $0x1, s29  }
0x1a: {  	p1 =	sne.s32 s29, s12  }
.Ltmp1:
0x1b: {  	s11 =	sor.u32 $0x1C05, s6;
	(pc) =	sbr.rel @!p1 .LBB2_15-.Ltmp1, $4  }
0x1c: {  	[hbm:s13], [sflag:s11] =	dma.local [spmem:s15], $0x3100  }
0x1d: {  	_ =	swait.ge [sflag:s16], $0x3100  }
0x1e: {  	[sflag:s16] =	ssyncset.done $0x0  }
0x1f: {  	[sflag:s16] =	ssyncadd.s32 $0xFFFFCF00  }
.LBB2_1:
0x20: {  	[spmem:s15], [sflag:s7] =	dma.local [hbm:s5], $0x3100  }
0x21: {  	[tilespmem:s4], [sflag:$0x5] =	stream.linear.gather [hbm4b:s8+s4], $0x800, $0x38;
	[tilespmem:$0x1F620] =	vst v63  }
0x22: {  	_ =	swait.ge [sflag:s16], $0x800  }
0x23: {  	[sflag:s16] =	ssyncset.done $0x0  }
.Ltmp2:
0x24: {  	s11 =	simm.s32 $0x1000;
	[sflag:s16] =	ssyncadd.s32 $0xFFFFF800;
	(pc) =	sbr.rel @p0 .LBB2_8-.Ltmp2, $4  }
0x25: {  	[tilespmem:s11], [sflag:$0x5] =	stream.linear.gather [hbm4b:s9+s4], $0x800, $0x38;
	[tilespmem:$0x1F620] =	vst v63  }
0x26: {  	_ =	swait.ge [sflag:s16], $0x800  }
0x27: {  	[sflag:s16] =	ssyncset.done $0x0  }
0x28: {  	s30 =	simm.s32 $0x0;
	s11 =	simm.s32 $0x2000;
	[sflag:s16] =	ssyncadd.s32 $0xFFFFF800  }
0x29: {  	[tilespmem:s11], [sflag:$0x1] =	stream.indirect.gather [hbm4b:s2+s18], $0x20, s30, s18, $0xb8;
	[tilespmem:$0x1F620] =	vst v63  }
0x2a: {  	_ = 	snop  }
0x2b: {  	[tilespmem:s21], [sflag:$0x1] =	stream.indirect.gather [hbm4b:s2+s18], $0x20, s20, s18, $0xb8;
	[tilespmem:$0x1F620] =	vst v63  }
0x2c: {  	_ = 	snop  }
0x2d: {  	[tilespmem:s23], [sflag:$0x1] =	stream.indirect.gather [hbm4b:s2+s18], $0x20, s22, s18, $0xb8;
	[tilespmem:$0x1F620] =	vst v63  }
.Ltmp3:
0x2e: {  	_ =	swait.ge [sflag:s25], $0x3100;
	(pc) =	sbr.rel .LBB2_3-.Ltmp3, $4  }
0x2f: {  	[sflag:s25] =	ssyncset.done $0x0  }
0x30: {  	[sflag:s25] =	ssyncadd.s32 $0xFFFFCF00  }
0x31: {  	[bflag:$0x0] =	sbarrier.arrive $0xFFFF  }
0x32: {  	s31 =	simm.s32 $0x180;
	s14 =	smov.u32 s0;
	s13 =	smov.u32 s1  }
.LBB2_5:
0x33: {  	p2 =	sne.s32 @!p1 s17, $0x8  }
0x34: {  	p1 =	por p2, p1  }
0x35: {  	s11 =	simm.s32 @!p1 $0x3  }
0x36: {  	_ =	swait.ge @!p1 [sflag:s11], $0x800  }
0x37: {  	[sflag:s11] =	ssyncset.done @!p1 $0x0  }
0x38: {  	[sflag:s11] =	ssyncadd.s32 @!p1 $0xFFFFF800  }
0x39: {  	_ =	swait.ge @!p1 [sflag:s11], $0x800  }
0x3a: {  	[sflag:s11] =	ssyncset.done @!p1 $0x0  }
0x3b: {  	[sflag:s11] =	ssyncadd.s32 @!p1 $0xFFFFF800  }
.LBB2_6:
0x3c: {  	s11 =	smul.u32 $0xCCCD, s30;
	_ =	sdelay $0x1  }
0x3d: {  	s11 =	sshrl.u32 s11, $0x12  }
0x3e: {  	s11 =	smul.u32 $0x5, s11;
	_ =	sdelay $0x1  }
0x3f: {  	s11 =	ssub.s32 s30, s11  }
0x40: {  	s11 =	smul.u32 $0x3E80, s11  }
0x41: {  	_ =	swait.ge [sflag:s26], $0xFA0  }
0x42: {  	s17 =	sshll.u32 s17, $0x7;
	p1 =	slt.u32 s30, $0x2;
	s11 =	sand.u32 $0xFF80, s11  }
0x43: {  	[sflag:s26] =	ssyncset.done $0x0;
	s17 =	sor.u32 s17, s19;
	s11 =	sshrl.u32 s11, $0x2  }
0x44: {  	[sflag:s26] =	ssyncadd.s32 $0xFFFFF060;
	s17 =	sor.u32 $0x1000, s17;
	s11 =	sadd.s32 $0x2000, s11  }
0x45: {  	[spmem:s3] =	stream.indirect.scatter.add.f32 [tilespmem:s11], [sflag:$0x2], $0x20, s17, s18, $0xb8;
	[tilespmem:$0x1F620] =	vst v63  }
0x46: {  	s11 =	simm.s32 @!p1 $0x2  }
0x47: {  	p2 =	sgt.u32 @!p1 s30, $0x18C;
	_ =	swait.ge @!p1 [sflag:s11], $0xFA0  }
0x48: {  	p2 =	por p1, !p2;
	[sflag:s11] =	ssyncset.done @!p1 $0x0  }
0x49: {  	[sflag:s11] =	ssyncadd.s32 @!p1 $0xFFFFF060;
	s11 =	sadd.s32 @p2 $0x3, s30  }
0x4a: {  	s17 =	smul.u32 @p2 $0xCCCD, s11;
	_ =	sdelay $0x1  }
0x4b: {  	s17 =	sshrl.u32 @p2 s17, $0x12  }
0x4c: {  	s17 =	smul.u32 @p2 $0x5, s17;
	_ =	sdelay $0x1  }
0x4d: {  	s30 =	sadd.s32 $0x1, s30;
	s11 =	ssub.s32 @p2 s11, s17  }
0x4e: {  	p1 =	sne.s32 s30, $0x190;
	s11 =	smul.u32 @p2 $0x3E80, s11  }
.Ltmp4:
0x4f: {  	_ = 	snop;
	(pc) =	sbr.rel @!p1 .LBB2_7-.Ltmp4, $4  }
0x50: {  	s11 =	sand.u32 @p2 $0xFF80, s11  }
0x51: {  	s13 =	sadd.s32 $0x10, s13;
	s14 =	sadd.s32 $0x10, s14;
	s11 =	sshrl.u32 @p2 s11, $0x2  }
0x52: {  	s17 =	sand.u32 @p2 $0xF80, s31;
	s31 =	sadd.s32 $0x80, s31;
	s11 =	sadd.s32 @p2 $0x2000, s11  }
0x53: {  	[tilespmem:s11], [sflag:$0x1] =	stream.indirect.gather @p2 [hbm4b:s2+s18], $0x20, s17, s18, $0xb8;
	[tilespmem:$0x1F620] =	vst v63  }
.LBB2_3:
0x54: {  	s17 =	sand.u32 $0xF, s30;
	p1 =	sgt.u32 s30, $0x17F  }
0x55: {  	p2 =	sne.s32 @!p1 s17, $0x0  }
0x56: {  	p2 =	por p1, p2  }
.Ltmp5:
0x57: {  	_ = 	snop;
	(pc) =	sbr.rel @p2 .LBB2_5-.Ltmp5, $4  }
0x58: {  	_ = 	snop  }
0x59: {  	s19 =	sshrl.u32 s30, $0x4  }
0x5a: {  	s19 =	sand.u32 $0x1, s19  }
0x5b: {  	s19 =	sshll.u32 s19, $0xB  }
.Ltmp6:
0x5c: {  	(pc) =	sbr.rel .LBB2_6-.Ltmp6, $4  }
0x5d: {  	s11 =	sxor.u32 $0x800, s19  }
0x5e: {  	[tilespmem:s11], [sflag:$0x3] =	stream.linear.gather [hbm4b:s14+s4], $0x800, $0x38;
	[tilespmem:$0x1F620] =	vst v63  }
0x5f: {  	s11 =	sor.u32 $0x1000, s11  }
0x60: {  	[tilespmem:s11], [sflag:$0x3] =	stream.linear.gather [hbm4b:s13+s4], $0x800, $0x38;
	[tilespmem:$0x1F620] =	vst v63  }
.LBB2_8:
0x61: {  	[tilespmem:s11], [sflag:$0x1] =	stream.indirect.gather [hbm4b:s10+s18], $0x20, s30, s18, $0xb8;
	[tilespmem:$0x1F620] =	vst v63  }
0x62: {  	_ = 	snop  }
0x63: {  	[tilespmem:s21], [sflag:$0x1] =	stream.indirect.gather [hbm4b:s10+s18], $0x20, s20, s18, $0xb8;
	[tilespmem:$0x1F620] =	vst v63  }
0x64: {  	_ = 	snop  }
0x65: {  	[tilespmem:s23], [sflag:$0x1] =	stream.indirect.gather [hbm4b:s10+s18], $0x20, s22, s18, $0xb8;
	[tilespmem:$0x1F620] =	vst v63  }
.Ltmp7:
0x66: {  	_ =	swait.ge [sflag:s25], $0x3100;
	(pc) =	sbr.rel .LBB2_9-.Ltmp7, $4  }
0x67: {  	[sflag:s25] =	ssyncset.done $0x0  }
0x68: {  	[sflag:s25] =	ssyncadd.s32 $0xFFFFCF00  }
0x69: {  	[bflag:$0x0] =	sbarrier.arrive $0xFFFF  }
0x6a: {  	s31 =	simm.s32 $0x180;
	s14 =	smov.u32 s0;
	s13 =	smov.u32 s1  }
.LBB2_11:
0x6b: {  	p2 =	sne.s32 @!p1 s17, $0x8  }
0x6c: {  	p1 =	por p2, p1  }
0x6d: {  	s11 =	simm.s32 @!p1 $0x3  }
0x6e: {  	_ =	swait.ge @!p1 [sflag:s11], $0x800  }
0x6f: {  	[sflag:s11] =	ssyncset.done @!p1 $0x0  }
0x70: {  	[sflag:s11] =	ssyncadd.s32 @!p1 $0xFFFFF800  }
0x71: {  	_ =	swait.ge @!p1 [sflag:s11], $0x800  }
0x72: {  	[sflag:s11] =	ssyncset.done @!p1 $0x0  }
0x73: {  	[sflag:s11] =	ssyncadd.s32 @!p1 $0xFFFFF800  }
.LBB2_12:
0x74: {  	s11 =	smul.u32 $0xCCCD, s30;
	_ =	sdelay $0x1  }
0x75: {  	s11 =	sshrl.u32 s11, $0x12  }
0x76: {  	s11 =	smul.u32 $0x5, s11;
	_ =	sdelay $0x1  }
0x77: {  	s11 =	ssub.s32 s30, s11  }
0x78: {  	s11 =	smul.u32 $0x3E80, s11  }
0x79: {  	_ =	swait.ge [sflag:s26], $0xFA0  }
0x7a: {  	s17 =	sshll.u32 s17, $0x7;
	p1 =	slt.u32 s30, $0x2;
	s11 =	sand.u32 $0xFF80, s11  }
0x7b: {  	[sflag:s26] =	ssyncset.done $0x0;
	s17 =	sor.u32 s17, s19;
	s11 =	sshrl.u32 s11, $0x2  }
0x7c: {  	[sflag:s26] =	ssyncadd.s32 $0xFFFFF060;
	s17 =	sor.u32 $0x1000, s17;
	s11 =	sadd.s32 $0x2000, s11  }
0x7d: {  	[spmem:s3] =	stream.indirect.scatter.add.f32 [tilespmem:s11], [sflag:$0x2], $0x20, s17, s18, $0xb8;
	[tilespmem:$0x1F620] =	vst v63  }
0x7e: {  	s11 =	simm.s32 @!p1 $0x2  }
0x7f: {  	p2 =	sgt.u32 @!p1 s30, $0x18C;
	_ =	swait.ge @!p1 [sflag:s11], $0xFA0  }
0x80: {  	p2 =	por p1, !p2;
	[sflag:s11] =	ssyncset.done @!p1 $0x0  }
0x81: {  	[sflag:s11] =	ssyncadd.s32 @!p1 $0xFFFFF060;
	s11 =	sadd.s32 @p2 $0x3, s30  }
0x82: {  	s17 =	smul.u32 @p2 $0xCCCD, s11;
	_ =	sdelay $0x1  }
0x83: {  	s17 =	sshrl.u32 @p2 s17, $0x12  }
0x84: {  	s17 =	smul.u32 @p2 $0x5, s17;
	_ =	sdelay $0x1  }
0x85: {  	s30 =	sadd.s32 $0x1, s30;
	s11 =	ssub.s32 @p2 s11, s17  }
0x86: {  	p1 =	sne.s32 s30, $0x190;
	s11 =	smul.u32 @p2 $0x3E80, s11  }
.Ltmp8:
0x87: {  	_ = 	snop;
	(pc) =	sbr.rel @!p1 .LBB2_13-.Ltmp8, $4  }
0x88: {  	s11 =	sand.u32 @p2 $0xFF80, s11  }
0x89: {  	s13 =	sadd.s32 $0x10, s13;
	s14 =	sadd.s32 $0x10, s14;
	s11 =	sshrl.u32 @p2 s11, $0x2  }
0x8a: {  	s17 =	sand.u32 @p2 $0xF80, s31;
	s31 =	sadd.s32 $0x80, s31;
	s11 =	sadd.s32 @p2 $0x2000, s11  }
0x8b: {  	[tilespmem:s11], [sflag:$0x1] =	stream.indirect.gather @p2 [hbm4b:s10+s18], $0x20, s17, s18, $0xb8;
	[tilespmem:$0x1F620] =	vst v63  }
.LBB2_9:
0x8c: {  	s17 =	sand.u32 $0xF, s30;
	p1 =	sgt.u32 s30, $0x17F  }
0x8d: {  	p2 =	sne.s32 @!p1 s17, $0x0  }
0x8e: {  	p2 =	por p1, p2  }
.Ltmp9:
0x8f: {  	_ = 	snop;
	(pc) =	sbr.rel @p2 .LBB2_11-.Ltmp9, $4  }
0x90: {  	_ = 	snop  }
0x91: {  	s11 =	sshrl.u32 s30, $0x4  }
0x92: {  	s11 =	sand.u32 $0x1, s11  }
0x93: {  	s19 =	sshll.u32 s11, $0xB  }
.Ltmp10:
0x94: {  	(pc) =	sbr.rel .LBB2_12-.Ltmp10, $4  }
0x95: {  	s11 =	sxor.u32 $0x800, s19  }
0x96: {  	[tilespmem:s11], [sflag:$0x3] =	stream.linear.gather [hbm4b:s14+s4], $0x800, $0x38;
	[tilespmem:$0x1F620] =	vst v63  }
0x97: {  	s11 =	sor.u32 $0x1000, s11  }
0x98: {  	[tilespmem:s11], [sflag:$0x3] =	stream.linear.gather [hbm4b:s13+s4], $0x800, $0x38;
	[tilespmem:$0x1F620] =	vst v63  }
.LBB2_7:
0x99: {  	_ =	swait.ge [sflag:s28], $0xFA0  }
0x9a: {  	[sflag:s28] =	ssyncset.done $0x0  }
0x9b: {  	[sflag:s28] =	ssyncadd.s32 $0xFFFFF060  }
.Ltmp11:
0x9c: {  	_ =	swait.ge [sflag:s28], $0xFA0;
	(pc) =	sbr.rel .LBB2_14-.Ltmp11, $4  }
0x9d: {  	[sflag:s28] =	ssyncset.done $0x0  }
0x9e: {  	[sflag:s28] =	ssyncadd.s32 $0xFFFFF060  }
0x9f: {  	[bflag:$0x0] =	sbarrier.arrive $0xFFFF  }
0xa0: {  	s13 =	rddreg [dreg:$0x4]  }
.LBB2_15:
0xa1: {  	_ =	sfence.sel $0x180000  }
0xa2: {  	[bflag:$0x0] =	sbarrier.arrive $0xFFFF  }
0xa3: {  	_ =	strace $0x90000047  }
0xa4: {  	s0 =	stileid.u32;
	[bflag:$0x2] =	sbarrier.arrive $0xFFFF  }
0xa5: {  	p0 =	sne.s32 s0, $0x0;
	s0 =	rddreg [dreg:$0x3]  }
0xa6: {  	s0 =	sadd.s32 @!p0 $0x100000, s0  }
0xa7: {  	[sflag:s0] =	ssyncadd.tile.s32 @!p0 $0x1;
	_ =	shalt  }
.Lfunc_end2:
_tile_overlayer_lowered:
.L_overlay_start_2:
0xa8: {  	(tag) =	ssettag $0x2  }
0xa9: {  	s0 =	rddreg [dreg:$0x0];
	s2 =	stileid.u32  }
0xaa: {  	s1 =	rddreg [dreg:$0x1];
	p0 =	sne.s32 s2, $0x0  }
0xab: {  	s3 =	rddreg [dreg:$0x2];
	[bflag:$0x3] =	sbarrier.arrive $0xFFFF;
	s2 =	simm.s32 @!p0 $0x1C05  }
0xac: {  	[timem:s3], [sflag:s2] =	dma.local @!p0 [hbm:s0], s1  }
0xad: {  	s0 =	simm.s32 @!p0 $0x5  }
0xae: {  	_ =	swait.ge @!p0 [sflag:s0], s1  }
0xaf: {  	s1 =	ssub.s32 @!p0 $0x0, s1;
	[sflag:s0] =	ssyncset.done @!p0 $0x0  }
0xb0: {  	[sflag:s0] =	ssyncadd.s32 @!p0 s1  }
0xb1: {  	[bflag:$0x3] =	sbarrier.arrive $0xFFFF  }
0xb2: {  	_ =	shalt  }

</sc_bundles>
